<compile_context>
chip_gen: v7x
topology: tpu7x:2x2x1
jax: 0.10.2.dev20260603
libtpu: 0.0.44.dev20260713+nightly
codegen_flags: <defaults>
</compile_context>

<pallas_src>
import functools

import jax
import jax.numpy as jnp
from jax import lax
from jax.experimental import pallas as pl
from jax.experimental.pallas import tpu as pltpu
from jax.experimental.pallas import tpu_sc as plsc

N = 10000
NP = 10240
E = 160000
CH = 128
NSUB = 16
NCHUNK = 80
EP = NSUB * NCHUNK * CH
RB = 512
GRID = NP // RB
RZ = NP // NSUB

_MESH = plsc.VectorSubcoreMesh(core_axis_name="c", subcore_axis_name="s")


def _make_deg_kernel():

    @functools.partial(
        pl.kernel,
        out_type=jax.ShapeDtypeStruct((2, NP, 128), jnp.float32),
        mesh=_MESH,
        scratch_types=[
            pltpu.VMEM((NCHUNK, CH), jnp.int32),
            pltpu.VMEM((CH, 128), jnp.float32),
            pltpu.VMEM_SHARED((NP, 128), jnp.float32),
        ],
    )
    def deg_kernel(dst_hbm, ones_hbm, zeros_hbm, out_hbm,
                   dst_v, ones_v, acc):
        c = lax.axis_index("c")
        s = lax.axis_index("s")
        pltpu.sync_copy(dst_hbm.at[s], dst_v)
        pltpu.sync_copy(ones_hbm, ones_v)
        pltpu.sync_copy(zeros_hbm, acc.at[pl.ds(s * RZ, RZ)])
        plsc.subcore_barrier()

        half = NCHUNK // 2

        def body(j, carry):
            pltpu.sync_copy(ones_v, acc.at[dst_v.at[j]], add=True)
            return carry

        lax.fori_loop(half * c, half * (c + 1), body, 0)
        plsc.subcore_barrier()
        pltpu.sync_copy(acc.at[pl.ds(s * RZ, RZ)],
                        out_hbm.at[c, pl.ds(s * RZ, RZ)])

    return deg_kernel


def _make_agg_kernel(split_features):

    nloc = NCHUNK if split_features else NCHUNK // 2

    @functools.partial(
        pl.kernel,
        out_type=jax.ShapeDtypeStruct((2, NP, 128), jnp.float32),
        mesh=_MESH,
        scratch_types=[
            pltpu.VMEM((NCHUNK, CH), jnp.int32),
            pltpu.VMEM((NCHUNK, CH), jnp.int32),
            pltpu.VMEM((CH, 128), jnp.float32),
            pltpu.VMEM_SHARED((NP, 128), jnp.float32),
            pltpu.SemaphoreType.DMA,
        ],
    )
    def agg_kernel(gidx_hbm, dst_hbm, g2v_hbm, zeros_hbm, out_hbm,
                   gidx_v, dst_v, rows_v, acc, sem):
        c = lax.axis_index("c")
        s = lax.axis_index("s")
        if split_features:
            pltpu.sync_copy(gidx_hbm.at[c, s], gidx_v)
            lo = 0
        else:
            pltpu.sync_copy(gidx_hbm.at[s], gidx_v)
            lo = nloc * c
        pltpu.sync_copy(dst_hbm.at[s], dst_v)
        pltpu.sync_copy(zeros_hbm, acc.at[pl.ds(s * RZ, RZ)])
        plsc.subcore_barrier()

        def body(j, carry):
            pltpu.async_copy(g2v_hbm.at[gidx_v.at[j]], rows_v, sem).wait()
            pltpu.sync_copy(rows_v, acc.at[dst_v.at[j]], add=True)
            return carry

        lax.fori_loop(lo, lo + nloc, body, 0)

        plsc.subcore_barrier()
        pltpu.sync_copy(acc.at[pl.ds(s * RZ, RZ)],
                        out_hbm.at[c, pl.ds(s * RZ, RZ)])

    return agg_kernel


_DEG_KERNEL = _make_deg_kernel()
_AGG_SPLIT = _make_agg_kernel(True)
_AGG_PART = _make_agg_kernel(False)


def _tc_first_body(x_b, w_b, d0_b, d1_b, g_b, dinv_b):
    deg = 1.0 + d0_b[:, 0:1] + d1_b[:, 0:1]
    dinv = lax.rsqrt(deg)
    dinv_b[...] = dinv
    g_b[...] = jnp.dot(x_b[...], w_b[...],
                       preferred_element_type=jnp.float32) * dinv


def _tc_first(x, w, d0, d1):
    f_in, f_out = w.shape
    return pl.pallas_call(
        _tc_first_body,
        grid=(GRID,),
        in_specs=[
            pl.BlockSpec((RB, f_in), lambda i: (i, 0)),
            pl.BlockSpec((f_in, f_out), lambda i: (0, 0)),
            pl.BlockSpec((RB, 128), lambda i: (i, 0)),
            pl.BlockSpec((RB, 128), lambda i: (i, 0)),
        ],
        out_specs=[
            pl.BlockSpec((RB, f_out), lambda i: (i, 0)),
            pl.BlockSpec((RB, 1), lambda i: (i, 0)),
        ],
        out_shape=[
            jax.ShapeDtypeStruct((NP, f_out), jnp.float32),
            jax.ShapeDtypeStruct((NP, 1), jnp.float32),
        ],
    )(x, w, d0, d1)


def _tc_mid_body(concat, scale_out, s0_b, s1_b, g_b, dinv_b, b_b, w_b, o_b):
    if concat:
        s = jnp.concatenate([s0_b[...], s1_b[...]], axis=1)
    else:
        s = s0_b[...] + s1_b[...]
    a = jnp.maximum((s + g_b[...]) * dinv_b[...] + b_b[...], 0.0)
    o = jnp.dot(a, w_b[...], preferred_element_type=jnp.float32)
    if scale_out:
        o = o * dinv_b[...]
    o_b[...] = o


def _tc_mid(s0, s1, g, dinv, b, w, concat, scale_out):
    f_in = g.shape[1]
    hw = f_in // 2 if concat else f_in
    f_out = w.shape[1]
    return pl.pallas_call(
        functools.partial(_tc_mid_body, concat, scale_out),
        grid=(GRID,),
        in_specs=[
            pl.BlockSpec((RB, hw), lambda i: (i, 0)),
            pl.BlockSpec((RB, hw), lambda i: (i, 0)),
            pl.BlockSpec((RB, f_in), lambda i: (i, 0)),
            pl.BlockSpec((RB, 1), lambda i: (i, 0)),
            pl.BlockSpec((1, f_in), lambda i: (0, 0)),
            pl.BlockSpec((f_in, f_out), lambda i: (0, 0)),
        ],
        out_specs=pl.BlockSpec((RB, f_out), lambda i: (i, 0)),
        out_shape=jax.ShapeDtypeStruct((NP, f_out), jnp.float32),
    )(s0, s1, g, dinv, b, w)


def _tc_final_body(s0_b, s1_b, g_b, dinv_b, b_b, w_b, bl_b, o_b):
    s = s0_b[...] + s1_b[...]
    a = jnp.maximum((s + g_b[...]) * dinv_b[...] + b_b[...], 0.0)
    o_b[...] = jnp.dot(a, w_b[...],
                       preferred_element_type=jnp.float32) + bl_b[...]


def _tc_final(s0, s1, g, dinv, b_pad, w_pad, bl_pad):
    f_in = g.shape[1]
    f_out = w_pad.shape[1]
    return pl.pallas_call(
        _tc_final_body,
        grid=(GRID,),
        in_specs=[
            pl.BlockSpec((RB, f_in), lambda i: (i, 0)),
            pl.BlockSpec((RB, f_in), lambda i: (i, 0)),
            pl.BlockSpec((RB, f_in), lambda i: (i, 0)),
            pl.BlockSpec((RB, 1), lambda i: (i, 0)),
            pl.BlockSpec((1, f_in), lambda i: (0, 0)),
            pl.BlockSpec((f_in, f_out), lambda i: (0, 0)),
            pl.BlockSpec((1, f_out), lambda i: (0, 0)),
        ],
        out_specs=pl.BlockSpec((RB, f_out), lambda i: (i, 0)),
        out_shape=jax.ShapeDtypeStruct((NP, f_out), jnp.float32),
    )(s0, s1, g, dinv, b_pad, w_pad, bl_pad)


def kernel(x, edge_index, W1, b1, W2, b2, W3, b3, Wl, bl):
    src = edge_index[0].astype(jnp.int32)
    dst = edge_index[1].astype(jnp.int32)
    pad = EP - E
    srcp = jnp.concatenate([src, jnp.zeros((pad,), jnp.int32)])
    dstp = jnp.concatenate([dst, jnp.full((pad,), N, jnp.int32)])
    gidx = (2 * srcp)[None, :] + jnp.array([[0], [1]], jnp.int32)
    gidx = gidx.reshape(2, NSUB, NCHUNK, CH)
    sidx = srcp.reshape(NSUB, NCHUNK, CH)
    dstr = dstp.reshape(NSUB, NCHUNK, CH)

    xp = jnp.pad(x, ((0, NP - N), (0, 0)))
    z128 = jnp.zeros((RZ, 128), jnp.float32)
    ones128 = jnp.ones((CH, 128), jnp.float32)
    sdeg = _DEG_KERNEL(dstr, ones128, z128)

    g1, dinv = _tc_first(xp, W1, sdeg[0], sdeg[1])
    s1 = _AGG_SPLIT(gidx, dstr, g1.reshape(2 * NP, 128), z128)
    g2 = _tc_mid(s1[0], s1[1], g1, dinv, b1.reshape(1, -1), W2,
                 concat=True, scale_out=True)
    s2 = _AGG_PART(sidx, dstr, g2, z128)
    w3_pad = jnp.pad(W3, ((0, 0), (0, 128 - W3.shape[1])))
    g3 = _tc_mid(s2[0], s2[1], g2, dinv, b2.reshape(1, -1), w3_pad,
                 concat=False, scale_out=True)
    s3 = _AGG_PART(sidx, dstr, g3, z128)
    b3_pad = jnp.pad(b3, (0, 128 - b3.shape[0])).reshape(1, -1)
    wl_pad = jnp.pad(Wl, ((0, 128 - Wl.shape[0]), (0, 128 - Wl.shape[1])))
    bl_pad = jnp.pad(bl, (0, 128 - bl.shape[0])).reshape(1, -1)
    out = _tc_final(s3[0], s3[1], g3, dinv, b3_pad, wl_pad, bl_pad)
    return out[:N, : bl.shape[0]]

# --- scband reference (transcript-rebuilt; emitter-appended) ---
"""Pipeline reference for scband-asdgcn-55181739819097 (READ-ONLY COPY).

The authoritative reference and input builder live on the scoring server;
editing this copy changes nothing except your own understanding.
"""

import jax, jax.numpy as jnp
import numpy as np

N_NODES = 10000
N_EDGES = 160000
D_IN = 256
H1 = 256
H2 = 128
H3 = 64
N_CLASSES = 2


def setup_inputs(seed: int = 0) -> dict:
    key = jax.random.key(seed)
    ks = jax.random.split(key, 12)
    x = jax.random.normal(ks[0], (N_NODES, D_IN), dtype=jnp.float32)
    edge_index = jax.random.randint(ks[1], (2, N_EDGES), 0, N_NODES, dtype=jnp.int64)
    # GCNConv weights (glorot-style scale) and biases
    W1 = jax.random.normal(ks[2], (D_IN, H1), dtype=jnp.float32) * (1.0 / np.sqrt(D_IN))
    b1 = jnp.zeros((H1,), dtype=jnp.float32)
    W2 = jax.random.normal(ks[3], (H1, H2), dtype=jnp.float32) * (1.0 / np.sqrt(H1))
    b2 = jnp.zeros((H2,), dtype=jnp.float32)
    W3 = jax.random.normal(ks[4], (H2, H3), dtype=jnp.float32) * (1.0 / np.sqrt(H2))
    b3 = jnp.zeros((H3,), dtype=jnp.float32)
    Wl = jax.random.normal(ks[5], (H3, N_CLASSES), dtype=jnp.float32) * (1.0 / np.sqrt(H3))
    bl = jnp.zeros((N_CLASSES,), dtype=jnp.float32)
    return {"x": x, "edge_index": edge_index, "W1": W1, "b1": b1,
            "W2": W2, "b2": b2, "W3": W3, "b3": b3, "Wl": Wl, "bl": bl}


def _gcn_conv(x, src, dst, W, b):
    # PyG GCNConv: h = x @ W; symmetric normalization with self-loops; scatter-add; + bias
    n = x.shape[0]
    deg = jnp.zeros((n,), dtype=jnp.float32).at[dst].add(1.0)
    dinv = jnp.where(deg > 0, 1.0 / jnp.sqrt(deg), 0.0)
    norm = dinv[src] * dinv[dst]
    h = x @ W
    msgs = h[src] * norm[:, None]
    out = jnp.zeros((n, W.shape[1]), dtype=x.dtype).at[dst].add(msgs)
    return out + b


def reference(x, edge_index, W1, b1, W2, b2, W3, b3, Wl, bl):
    n = x.shape[0]
    loop = jnp.arange(n, dtype=edge_index.dtype)
    src = jnp.concatenate([edge_index[0], loop])
    dst = jnp.concatenate([edge_index[1], loop])
    h = _gcn_conv(x, src, dst, W1, b1)
    h = jax.nn.relu(h)
    h = _gcn_conv(h, src, dst, W2, b2)
    h = jax.nn.relu(h)
    h = _gcn_conv(h, src, dst, W3, b3)
    h = jax.nn.relu(h)
    out = h @ Wl + bl
    return out

if __name__ == "__main__":
    import jax
    _d = setup_inputs()
    print(jax.jit(kernel)(*tuple(_d.values())))

</pallas_src>

<mosaic_0001>
#map = affine_map<(d0, d1) -> (0, 0, 0)>
#map1 = affine_map<(d0, d1) -> (0, 0)>
module attributes {stable_mosaic.version = 14 : i64} {
  func.func @deg_kernel(%arg0: i32, %arg1: i32, %arg2: memref<16x80x128xi32, #tpu.memory_space<hbm>>, %arg3: memref<128x128xf32, #tpu.memory_space<hbm>>, %arg4: memref<640x128xf32, #tpu.memory_space<hbm>>, %arg5: memref<2x10240x128xf32, #tpu.memory_space<hbm>>, %arg6: memref<80x128xi32, #tpu.memory_space<vmem>>, %arg7: memref<128x128xf32, #tpu.memory_space<vmem>>, %arg8: memref<10240x128xf32, #tpu.memory_space<vmem_shared>>) attributes {dimension_semantics = [#tpu.dimension_semantics<core_parallel>, #tpu.dimension_semantics<subcore_parallel>], iteration_bounds = array<i64: 2, 16>, scalar_prefetch = 0 : i64, scratch_operands = 3 : i64, tpu.core_type = #tpu.core_type<sc_vector_subcore>, window_params = [{transform_indices = #map}, {transform_indices = #map1}, {transform_indices = #map1}, {transform_indices = #map}]} {
    "tpu.region"() ({
      %run_scoped3A = tpu.sem_alloc : memref<!tpu.dma_semaphore, #tpu.memory_space<semaphore_mem>>
      %dma_start3A = arith.constant 0 : i32
      %dma_start3A_19 = arith.constant 0 : i32
      %dma_start3A_20 = tpu.memref_slice %arg2[%arg1, %dma_start3A, %dma_start3A_19] : memref<16x80x128xi32, #tpu.memory_space<hbm>> -> memref<1x80x128xi32, #tpu.memory_space<hbm>>
      %dma_start3A_21 = tpu.memref_squeeze %dma_start3A_20 : memref<1x80x128xi32, #tpu.memory_space<hbm>> -> memref<80x128xi32, #tpu.memory_space<hbm>>
      %dma_start3A_22 = arith.constant 0 : i32
      %dma_start3A_23 = arith.constant 0 : i32
      %dma_start3A_24 = tpu.memref_slice %arg2[%arg1, %dma_start3A_22, %dma_start3A_23] : memref<16x80x128xi32, #tpu.memory_space<hbm>> -> memref<1x80x128xi32, #tpu.memory_space<hbm>>
      %dma_start3A_25 = tpu.memref_squeeze %dma_start3A_24 : memref<1x80x128xi32, #tpu.memory_space<hbm>> -> memref<80x128xi32, #tpu.memory_space<hbm>>
      tpu.enqueue_dma source(%dma_start3A_25 : memref<80x128xi32, #tpu.memory_space<hbm>>) target(%arg6 : memref<80x128xi32, #tpu.memory_space<vmem>>) target_semaphore(%run_scoped3A : memref<!tpu.dma_semaphore, #tpu.memory_space<semaphore_mem>>)
      %dma_wait3A = arith.constant 0 : i32
      %dma_wait3A_26 = arith.constant 0 : i32
      %dma_wait3A_27 = tpu.memref_slice %arg2[%arg1, %dma_wait3A, %dma_wait3A_26] : memref<16x80x128xi32, #tpu.memory_space<hbm>> -> memref<1x80x128xi32, #tpu.memory_space<hbm>>
      %dma_wait3A_28 = tpu.memref_squeeze %dma_wait3A_27 : memref<1x80x128xi32, #tpu.memory_space<hbm>> -> memref<80x128xi32, #tpu.memory_space<hbm>>
      %dma_wait3A_29 = arith.constant 0 : i32
      %dma_wait3A_30 = arith.constant 0 : i32
      %dma_wait3A_31 = tpu.memref_slice %arg2[%arg1, %dma_wait3A_29, %dma_wait3A_30] : memref<16x80x128xi32, #tpu.memory_space<hbm>> -> memref<1x80x128xi32, #tpu.memory_space<hbm>>
      %dma_wait3A_32 = tpu.memref_squeeze %dma_wait3A_31 : memref<1x80x128xi32, #tpu.memory_space<hbm>> -> memref<80x128xi32, #tpu.memory_space<hbm>>
      tpu.wait_dma2 semaphore(%run_scoped3A : memref<!tpu.dma_semaphore, #tpu.memory_space<semaphore_mem>>) src(%dma_wait3A_32 : memref<80x128xi32, #tpu.memory_space<hbm>>) dst(%arg6 : memref<80x128xi32, #tpu.memory_space<vmem>>)
      tpu.yield
    }) : () -> ()
    "tpu.region"() ({
      %run_scoped3A = tpu.sem_alloc : memref<!tpu.dma_semaphore, #tpu.memory_space<semaphore_mem>>
      tpu.enqueue_dma source(%arg3 : memref<128x128xf32, #tpu.memory_space<hbm>>) target(%arg7 : memref<128x128xf32, #tpu.memory_space<vmem>>) target_semaphore(%run_scoped3A : memref<!tpu.dma_semaphore, #tpu.memory_space<semaphore_mem>>)
      tpu.wait_dma2 semaphore(%run_scoped3A : memref<!tpu.dma_semaphore, #tpu.memory_space<semaphore_mem>>) src(%arg3 : memref<128x128xf32, #tpu.memory_space<hbm>>) dst(%arg7 : memref<128x128xf32, #tpu.memory_space<vmem>>)
      tpu.yield
    }) : () -> ()
    %mul3A = arith.constant 640 : i32
    %mul3A_0 = arith.muli %arg1, %mul3A : i32
    "tpu.region"() ({
      %run_scoped3A = tpu.sem_alloc : memref<!tpu.dma_semaphore, #tpu.memory_space<semaphore_mem>>
      %dma_start3A = arith.constant 0 : i32
      %dma_start3A_19 = tpu.memref_slice %arg8[%mul3A_0, %dma_start3A] : memref<10240x128xf32, #tpu.memory_space<vmem_shared>> -> memref<640x128xf32, #tpu.memory_space<vmem_shared>>
      tpu.enqueue_dma source(%arg4 : memref<640x128xf32, #tpu.memory_space<hbm>>) target(%dma_start3A_19 : memref<640x128xf32, #tpu.memory_space<vmem_shared>>) target_semaphore(%run_scoped3A : memref<!tpu.dma_semaphore, #tpu.memory_space<semaphore_mem>>)
      %dma_wait3A = arith.constant 0 : i32
      %dma_wait3A_20 = tpu.memref_slice %arg8[%mul3A_0, %dma_wait3A] : memref<10240x128xf32, #tpu.memory_space<vmem_shared>> -> memref<640x128xf32, #tpu.memory_space<vmem_shared>>
      tpu.wait_dma2 semaphore(%run_scoped3A : memref<!tpu.dma_semaphore, #tpu.memory_space<semaphore_mem>>) src(%arg4 : memref<640x128xf32, #tpu.memory_space<hbm>>) dst(%dma_wait3A_20 : memref<640x128xf32, #tpu.memory_space<vmem_shared>>)
      tpu.yield
    }) : () -> ()
    %barrier3A = arith.constant 0 : index
    tpu.barrier barrier_id(%barrier3A)
    %mul3A_1 = arith.constant 40 : i32
    %mul3A_2 = arith.muli %mul3A_1, %arg0 : i32
    %add3A = arith.constant 1 : i32
    %add3A_3 = arith.addi %arg0, %add3A : i32
    %mul3A_4 = arith.constant 40 : i32
    %mul3A_5 = arith.muli %mul3A_4, %add3A_3 : i32
    %while3A = arith.constant 0 : i32
    %while3A_6 = arith.subi %mul3A_5, %mul3A_2 : i32
    %while3A_7 = arith.addi %mul3A_2, %while3A_6 : i32
    %while3A_8 = arith.constant 1 : i32
    %while3A_9 = arith.divsi %while3A_6, %while3A_8 : i32
    %while3A_10 = arith.muli %while3A_9, %while3A_8 : i32
    %while3A_11 = arith.addi %mul3A_2, %while3A_10 : i32
    %while3A_12 = arith.constant 1 : i32
    scf.for %while3A_19 = %mul3A_2 to %while3A_11 step %while3A_12  : i32 {
      "tpu.region"() ({
        %run_scoped3A = tpu.sem_alloc : memref<!tpu.dma_semaphore, #tpu.memory_space<semaphore_mem>>
        %dma_start3A = arith.constant 0 : i32
        %dma_start3A_20 = tpu.memref_slice %arg6[%while3A_19, %dma_start3A] : memref<80x128xi32, #tpu.memory_space<vmem>> -> memref<1x128xi32, #tpu.memory_space<vmem>>
        %dma_start3A_21 = tpu.memref_squeeze %dma_start3A_20 : memref<1x128xi32, #tpu.memory_space<vmem>> -> memref<128xi32, #tpu.memory_space<vmem>>
        %dma_start3A_22 = arith.constant 0 : i32
        %dma_start3A_23 = arith.constant 0 : i32
        %dma_start3A_24 = tpu.memref_slice %arg8[%dma_start3A_22, %dma_start3A_23] : memref<10240x128xf32, #tpu.memory_space<vmem_shared>> -> memref<10240x128xf32, #tpu.memory_space<vmem_shared>>
        tpu.enqueue_indirect_dma source(%arg7 : memref<128x128xf32, #tpu.memory_space<vmem>>) target(%dma_start3A_24 : memref<10240x128xf32, #tpu.memory_space<vmem_shared>>) offsets(%dma_start3A_21 : memref<128xi32, #tpu.memory_space<vmem>>) semaphore(%run_scoped3A : memref<!tpu.dma_semaphore, #tpu.memory_space<semaphore_mem>>) {add = true}
        %dma_wait3A = arith.constant 0 : i32
        %dma_wait3A_25 = tpu.memref_slice %arg6[%while3A_19, %dma_wait3A] : memref<80x128xi32, #tpu.memory_space<vmem>> -> memref<1x128xi32, #tpu.memory_space<vmem>>
        %dma_wait3A_26 = tpu.memref_squeeze %dma_wait3A_25 : memref<1x128xi32, #tpu.memory_space<vmem>> -> memref<128xi32, #tpu.memory_space<vmem>>
        %dma_wait3A_27 = arith.constant 0 : i32
        %dma_wait3A_28 = arith.constant 0 : i32
        %dma_wait3A_29 = tpu.memref_slice %arg8[%dma_wait3A_27, %dma_wait3A_28] : memref<10240x128xf32, #tpu.memory_space<vmem_shared>> -> memref<10240x128xf32, #tpu.memory_space<vmem_shared>>
        tpu.wait_indirect_dma semaphore(%run_scoped3A : memref<!tpu.dma_semaphore, #tpu.memory_space<semaphore_mem>>) src(%arg7 : memref<128x128xf32, #tpu.memory_space<vmem>>) dst(%dma_wait3A_29 : memref<10240x128xf32, #tpu.memory_space<vmem_shared>>)
        tpu.yield
      }) : () -> ()
    }
    %while3A_13 = arith.constant 1 : i32
    scf.for %while3A_19 = %while3A_11 to %while3A_7 step %while3A_13  : i32 {
      "tpu.region"() ({
        %run_scoped3A = tpu.sem_alloc : memref<!tpu.dma_semaphore, #tpu.memory_space<semaphore_mem>>
        %dma_start3A = arith.constant 0 : i32
        %dma_start3A_20 = tpu.memref_slice %arg6[%while3A_19, %dma_start3A] : memref<80x128xi32, #tpu.memory_space<vmem>> -> memref<1x128xi32, #tpu.memory_space<vmem>>
        %dma_start3A_21 = tpu.memref_squeeze %dma_start3A_20 : memref<1x128xi32, #tpu.memory_space<vmem>> -> memref<128xi32, #tpu.memory_space<vmem>>
        %dma_start3A_22 = arith.constant 0 : i32
        %dma_start3A_23 = arith.constant 0 : i32
        %dma_start3A_24 = tpu.memref_slice %arg8[%dma_start3A_22, %dma_start3A_23] : memref<10240x128xf32, #tpu.memory_space<vmem_shared>> -> memref<10240x128xf32, #tpu.memory_space<vmem_shared>>
        tpu.enqueue_indirect_dma source(%arg7 : memref<128x128xf32, #tpu.memory_space<vmem>>) target(%dma_start3A_24 : memref<10240x128xf32, #tpu.memory_space<vmem_shared>>) offsets(%dma_start3A_21 : memref<128xi32, #tpu.memory_space<vmem>>) semaphore(%run_scoped3A : memref<!tpu.dma_semaphore, #tpu.memory_space<semaphore_mem>>) {add = true}
        %dma_wait3A = arith.constant 0 : i32
        %dma_wait3A_25 = tpu.memref_slice %arg6[%while3A_19, %dma_wait3A] : memref<80x128xi32, #tpu.memory_space<vmem>> -> memref<1x128xi32, #tpu.memory_space<vmem>>
        %dma_wait3A_26 = tpu.memref_squeeze %dma_wait3A_25 : memref<1x128xi32, #tpu.memory_space<vmem>> -> memref<128xi32, #tpu.memory_space<vmem>>
        %dma_wait3A_27 = arith.constant 0 : i32
        %dma_wait3A_28 = arith.constant 0 : i32
        %dma_wait3A_29 = tpu.memref_slice %arg8[%dma_wait3A_27, %dma_wait3A_28] : memref<10240x128xf32, #tpu.memory_space<vmem_shared>> -> memref<10240x128xf32, #tpu.memory_space<vmem_shared>>
        tpu.wait_indirect_dma semaphore(%run_scoped3A : memref<!tpu.dma_semaphore, #tpu.memory_space<semaphore_mem>>) src(%arg7 : memref<128x128xf32, #tpu.memory_space<vmem>>) dst(%dma_wait3A_29 : memref<10240x128xf32, #tpu.memory_space<vmem_shared>>)
        tpu.yield
      }) : () -> ()
    }
    %barrier3A_14 = arith.constant 0 : index
    tpu.barrier barrier_id(%barrier3A_14)
    %mul3A_15 = arith.constant 640 : i32
    %mul3A_16 = arith.muli %arg1, %mul3A_15 : i32
    %mul3A_17 = arith.constant 640 : i32
    %mul3A_18 = arith.muli %arg1, %mul3A_17 : i32
    "tpu.region"() ({
      %run_scoped3A = tpu.sem_alloc : memref<!tpu.dma_semaphore, #tpu.memory_space<semaphore_mem>>
      %dma_start3A = arith.constant 0 : i32
      %dma_start3A_19 = tpu.memref_slice %arg5[%arg0, %mul3A_18, %dma_start3A] : memref<2x10240x128xf32, #tpu.memory_space<hbm>> -> memref<1x640x128xf32, #tpu.memory_space<hbm>>
      %dma_start3A_20 = tpu.memref_squeeze %dma_start3A_19 : memref<1x640x128xf32, #tpu.memory_space<hbm>> -> memref<640x128xf32, #tpu.memory_space<hbm>>
      %dma_start3A_21 = arith.constant 0 : i32
      %dma_start3A_22 = tpu.memref_slice %arg8[%mul3A_16, %dma_start3A_21] : memref<10240x128xf32, #tpu.memory_space<vmem_shared>> -> memref<640x128xf32, #tpu.memory_space<vmem_shared>>
      tpu.enqueue_dma source(%dma_start3A_22 : memref<640x128xf32, #tpu.memory_space<vmem_shared>>) target(%dma_start3A_20 : memref<640x128xf32, #tpu.memory_space<hbm>>) target_semaphore(%run_scoped3A : memref<!tpu.dma_semaphore, #tpu.memory_space<semaphore_mem>>)
      %dma_wait3A = arith.constant 0 : i32
      %dma_wait3A_23 = tpu.memref_slice %arg5[%arg0, %mul3A_18, %dma_wait3A] : memref<2x10240x128xf32, #tpu.memory_space<hbm>> -> memref<1x640x128xf32, #tpu.memory_space<hbm>>
      %dma_wait3A_24 = tpu.memref_squeeze %dma_wait3A_23 : memref<1x640x128xf32, #tpu.memory_space<hbm>> -> memref<640x128xf32, #tpu.memory_space<hbm>>
      %dma_wait3A_25 = arith.constant 0 : i32
      %dma_wait3A_26 = tpu.memref_slice %arg8[%mul3A_16, %dma_wait3A_25] : memref<10240x128xf32, #tpu.memory_space<vmem_shared>> -> memref<640x128xf32, #tpu.memory_space<vmem_shared>>
      tpu.wait_dma2 semaphore(%run_scoped3A : memref<!tpu.dma_semaphore, #tpu.memory_space<semaphore_mem>>) src(%dma_wait3A_26 : memref<640x128xf32, #tpu.memory_space<vmem_shared>>) dst(%dma_wait3A_24 : memref<640x128xf32, #tpu.memory_space<hbm>>)
      tpu.yield
    }) : () -> ()
    return
  }
}

#map = affine_map<(d0, d1) -> (0, 0, 0)>
#map1 = affine_map<(d0, d1) -> (0, 0)>
module attributes {stable_mosaic.version = 14 : i64} {
  func.func @agg_kernel(%arg0: i32, %arg1: i32, %arg2: memref<16x80x128xi32, #tpu.memory_space<hbm>>, %arg3: memref<16x80x128xi32, #tpu.memory_space<hbm>>, %arg4: memref<10240x128xf32, #tpu.memory_space<hbm>>, %arg5: memref<640x128xf32, #tpu.memory_space<hbm>>, %arg6: memref<2x10240x128xf32, #tpu.memory_space<hbm>>, %arg7: memref<80x128xi32, #tpu.memory_space<vmem>>, %arg8: memref<80x128xi32, #tpu.memory_space<vmem>>, %arg9: memref<128x128xf32, #tpu.memory_space<vmem>>, %arg10: memref<10240x128xf32, #tpu.memory_space<vmem_shared>>, %arg11: memref<!tpu.dma_semaphore, #tpu.memory_space<semaphore_mem>>) attributes {dimension_semantics = [#tpu.dimension_semantics<core_parallel>, #tpu.dimension_semantics<subcore_parallel>], iteration_bounds = array<i64: 2, 16>, scalar_prefetch = 0 : i64, scratch_operands = 5 : i64, tpu.core_type = #tpu.core_type<sc_vector_subcore>, window_params = [{transform_indices = #map}, {transform_indices = #map}, {transform_indices = #map1}, {transform_indices = #map1}, {transform_indices = #map}]} {
    "tpu.region"() ({
      %run_scoped3A = tpu.sem_alloc : memref<!tpu.dma_semaphore, #tpu.memory_space<semaphore_mem>>
      %dma_start3A = arith.constant 0 : i32
      %dma_start3A_17 = arith.constant 0 : i32
      %dma_start3A_18 = tpu.memref_slice %arg2[%arg1, %dma_start3A, %dma_start3A_17] : memref<16x80x128xi32, #tpu.memory_space<hbm>> -> memref<1x80x128xi32, #tpu.memory_space<hbm>>
      %dma_start3A_19 = tpu.memref_squeeze %dma_start3A_18 : memref<1x80x128xi32, #tpu.memory_space<hbm>> -> memref<80x128xi32, #tpu.memory_space<hbm>>
      %dma_start3A_20 = arith.constant 0 : i32
      %dma_start3A_21 = arith.constant 0 : i32
      %dma_start3A_22 = tpu.memref_slice %arg2[%arg1, %dma_start3A_20, %dma_start3A_21] : memref<16x80x128xi32, #tpu.memory_space<hbm>> -> memref<1x80x128xi32, #tpu.memory_space<hbm>>
      %dma_start3A_23 = tpu.memref_squeeze %dma_start3A_22 : memref<1x80x128xi32, #tpu.memory_space<hbm>> -> memref<80x128xi32, #tpu.memory_space<hbm>>
      tpu.enqueue_dma source(%dma_start3A_23 : memref<80x128xi32, #tpu.memory_space<hbm>>) target(%arg7 : memref<80x128xi32, #tpu.memory_space<vmem>>) target_semaphore(%run_scoped3A : memref<!tpu.dma_semaphore, #tpu.memory_space<semaphore_mem>>)
      %dma_wait3A = arith.constant 0 : i32
      %dma_wait3A_24 = arith.constant 0 : i32
      %dma_wait3A_25 = tpu.memref_slice %arg2[%arg1, %dma_wait3A, %dma_wait3A_24] : memref<16x80x128xi32, #tpu.memory_space<hbm>> -> memref<1x80x128xi32, #tpu.memory_space<hbm>>
      %dma_wait3A_26 = tpu.memref_squeeze %dma_wait3A_25 : memref<1x80x128xi32, #tpu.memory_space<hbm>> -> memref<80x128xi32, #tpu.memory_space<hbm>>
      %dma_wait3A_27 = arith.constant 0 : i32
      %dma_wait3A_28 = arith.constant 0 : i32
      %dma_wait3A_29 = tpu.memref_slice %arg2[%arg1, %dma_wait3A_27, %dma_wait3A_28] : memref<16x80x128xi32, #tpu.memory_space<hbm>> -> memref<1x80x128xi32, #tpu.memory_space<hbm>>
      %dma_wait3A_30 = tpu.memref_squeeze %dma_wait3A_29 : memref<1x80x128xi32, #tpu.memory_space<hbm>> -> memref<80x128xi32, #tpu.memory_space<hbm>>
      tpu.wait_dma2 semaphore(%run_scoped3A : memref<!tpu.dma_semaphore, #tpu.memory_space<semaphore_mem>>) src(%dma_wait3A_30 : memref<80x128xi32, #tpu.memory_space<hbm>>) dst(%arg7 : memref<80x128xi32, #tpu.memory_space<vmem>>)
      tpu.yield
    }) : () -> ()
    %mul3A = arith.constant 40 : i32
    %mul3A_0 = arith.muli %mul3A, %arg0 : i32
    "tpu.region"() ({
      %run_scoped3A = tpu.sem_alloc : memref<!tpu.dma_semaphore, #tpu.memory_space<semaphore_mem>>
      %dma_start3A = arith.constant 0 : i32
      %dma_start3A_17 = arith.constant 0 : i32
      %dma_start3A_18 = tpu.memref_slice %arg3[%arg1, %dma_start3A, %dma_start3A_17] : memref<16x80x128xi32, #tpu.memory_space<hbm>> -> memref<1x80x128xi32, #tpu.memory_space<hbm>>
      %dma_start3A_19 = tpu.memref_squeeze %dma_start3A_18 : memref<1x80x128xi32, #tpu.memory_space<hbm>> -> memref<80x128xi32, #tpu.memory_space<hbm>>
      %dma_start3A_20 = arith.constant 0 : i32
      %dma_start3A_21 = arith.constant 0 : i32
      %dma_start3A_22 = tpu.memref_slice %arg3[%arg1, %dma_start3A_20, %dma_start3A_21] : memref<16x80x128xi32, #tpu.memory_space<hbm>> -> memref<1x80x128xi32, #tpu.memory_space<hbm>>
      %dma_start3A_23 = tpu.memref_squeeze %dma_start3A_22 : memref<1x80x128xi32, #tpu.memory_space<hbm>> -> memref<80x128xi32, #tpu.memory_space<hbm>>
      tpu.enqueue_dma source(%dma_start3A_23 : memref<80x128xi32, #tpu.memory_space<hbm>>) target(%arg8 : memref<80x128xi32, #tpu.memory_space<vmem>>) target_semaphore(%run_scoped3A : memref<!tpu.dma_semaphore, #tpu.memory_space<semaphore_mem>>)
      %dma_wait3A = arith.constant 0 : i32
      %dma_wait3A_24 = arith.constant 0 : i32
      %dma_wait3A_25 = tpu.memref_slice %arg3[%arg1, %dma_wait3A, %dma_wait3A_24] : memref<16x80x128xi32, #tpu.memory_space<hbm>> -> memref<1x80x128xi32, #tpu.memory_space<hbm>>
      %dma_wait3A_26 = tpu.memref_squeeze %dma_wait3A_25 : memref<1x80x128xi32, #tpu.memory_space<hbm>> -> memref<80x128xi32, #tpu.memory_space<hbm>>
      %dma_wait3A_27 = arith.constant 0 : i32
      %dma_wait3A_28 = arith.constant 0 : i32
      %dma_wait3A_29 = tpu.memref_slice %arg3[%arg1, %dma_wait3A_27, %dma_wait3A_28] : memref<16x80x128xi32, #tpu.memory_space<hbm>> -> memref<1x80x128xi32, #tpu.memory_space<hbm>>
      %dma_wait3A_30 = tpu.memref_squeeze %dma_wait3A_29 : memref<1x80x128xi32, #tpu.memory_space<hbm>> -> memref<80x128xi32, #tpu.memory_space<hbm>>
      tpu.wait_dma2 semaphore(%run_scoped3A : memref<!tpu.dma_semaphore, #tpu.memory_space<semaphore_mem>>) src(%dma_wait3A_30 : memref<80x128xi32, #tpu.memory_space<hbm>>) dst(%arg8 : memref<80x128xi32, #tpu.memory_space<vmem>>)
      tpu.yield
    }) : () -> ()
    %mul3A_1 = arith.constant 640 : i32
    %mul3A_2 = arith.muli %arg1, %mul3A_1 : i32
    "tpu.region"() ({
      %run_scoped3A = tpu.sem_alloc : memref<!tpu.dma_semaphore, #tpu.memory_space<semaphore_mem>>
      %dma_start3A = arith.constant 0 : i32
      %dma_start3A_17 = tpu.memref_slice %arg10[%mul3A_2, %dma_start3A] : memref<10240x128xf32, #tpu.memory_space<vmem_shared>> -> memref<640x128xf32, #tpu.memory_space<vmem_shared>>
      tpu.enqueue_dma source(%arg5 : memref<640x128xf32, #tpu.memory_space<hbm>>) target(%dma_start3A_17 : memref<640x128xf32, #tpu.memory_space<vmem_shared>>) target_semaphore(%run_scoped3A : memref<!tpu.dma_semaphore, #tpu.memory_space<semaphore_mem>>)
      %dma_wait3A = arith.constant 0 : i32
      %dma_wait3A_18 = tpu.memref_slice %arg10[%mul3A_2, %dma_wait3A] : memref<10240x128xf32, #tpu.memory_space<vmem_shared>> -> memref<640x128xf32, #tpu.memory_space<vmem_shared>>
      tpu.wait_dma2 semaphore(%run_scoped3A : memref<!tpu.dma_semaphore, #tpu.memory_space<semaphore_mem>>) src(%arg5 : memref<640x128xf32, #tpu.memory_space<hbm>>) dst(%dma_wait3A_18 : memref<640x128xf32, #tpu.memory_space<vmem_shared>>)
      tpu.yield
    }) : () -> ()
    %barrier3A = arith.constant 0 : index
    tpu.barrier barrier_id(%barrier3A)
    %add3A = arith.constant 40 : i32
    %add3A_3 = arith.addi %mul3A_0, %add3A : i32
    %while3A = arith.constant 0 : i32
    %while3A_4 = arith.subi %add3A_3, %mul3A_0 : i32
    %while3A_5 = arith.addi %mul3A_0, %while3A_4 : i32
    %while3A_6 = arith.constant 1 : i32
    %while3A_7 = arith.divsi %while3A_4, %while3A_6 : i32
    %while3A_8 = arith.muli %while3A_7, %while3A_6 : i32
    %while3A_9 = arith.addi %mul3A_0, %while3A_8 : i32
    %while3A_10 = arith.constant 1 : i32
    scf.for %while3A_17 = %mul3A_0 to %while3A_9 step %while3A_10  : i32 {
      %dma_start3A = arith.constant 0 : i32
      %dma_start3A_18 = tpu.memref_slice %arg7[%while3A_17, %dma_start3A] : memref<80x128xi32, #tpu.memory_space<vmem>> -> memref<1x128xi32, #tpu.memory_space<vmem>>
      %dma_start3A_19 = tpu.memref_squeeze %dma_start3A_18 : memref<1x128xi32, #tpu.memory_space<vmem>> -> memref<128xi32, #tpu.memory_space<vmem>>
      %dma_start3A_20 = arith.constant 0 : i32
      %dma_start3A_21 = arith.constant 0 : i32
      %dma_start3A_22 = tpu.memref_slice %arg4[%dma_start3A_20, %dma_start3A_21] : memref<10240x128xf32, #tpu.memory_space<hbm>> -> memref<10240x128xf32, #tpu.memory_space<hbm>>
      tpu.enqueue_indirect_dma source(%dma_start3A_22 : memref<10240x128xf32, #tpu.memory_space<hbm>>) target(%arg9 : memref<128x128xf32, #tpu.memory_space<vmem>>) offsets(%dma_start3A_19 : memref<128xi32, #tpu.memory_space<vmem>>) semaphore(%arg11 : memref<!tpu.dma_semaphore, #tpu.memory_space<semaphore_mem>>)
      %dma_wait3A = arith.constant 0 : i32
      %dma_wait3A_23 = tpu.memref_slice %arg7[%while3A_17, %dma_wait3A] : memref<80x128xi32, #tpu.memory_space<vmem>> -> memref<1x128xi32, #tpu.memory_space<vmem>>
      %dma_wait3A_24 = tpu.memref_squeeze %dma_wait3A_23 : memref<1x128xi32, #tpu.memory_space<vmem>> -> memref<128xi32, #tpu.memory_space<vmem>>
      %dma_wait3A_25 = arith.constant 0 : i32
      %dma_wait3A_26 = arith.constant 0 : i32
      %dma_wait3A_27 = tpu.memref_slice %arg4[%dma_wait3A_25, %dma_wait3A_26] : memref<10240x128xf32, #tpu.memory_space<hbm>> -> memref<10240x128xf32, #tpu.memory_space<hbm>>
      tpu.wait_indirect_dma semaphore(%arg11 : memref<!tpu.dma_semaphore, #tpu.memory_space<semaphore_mem>>) src(%dma_wait3A_27 : memref<10240x128xf32, #tpu.memory_space<hbm>>) dst(%arg9 : memref<128x128xf32, #tpu.memory_space<vmem>>)
      "tpu.region"() ({
        %run_scoped3A = tpu.sem_alloc : memref<!tpu.dma_semaphore, #tpu.memory_space<semaphore_mem>>
        %dma_start3A_28 = arith.constant 0 : i32
        %dma_start3A_29 = tpu.memref_slice %arg8[%while3A_17, %dma_start3A_28] : memref<80x128xi32, #tpu.memory_space<vmem>> -> memref<1x128xi32, #tpu.memory_space<vmem>>
        %dma_start3A_30 = tpu.memref_squeeze %dma_start3A_29 : memref<1x128xi32, #tpu.memory_space<vmem>> -> memref<128xi32, #tpu.memory_space<vmem>>
        %dma_start3A_31 = arith.constant 0 : i32
        %dma_start3A_32 = arith.constant 0 : i32
        %dma_start3A_33 = tpu.memref_slice %arg10[%dma_start3A_31, %dma_start3A_32] : memref<10240x128xf32, #tpu.memory_space<vmem_shared>> -> memref<10240x128xf32, #tpu.memory_space<vmem_shared>>
        tpu.enqueue_indirect_dma source(%arg9 : memref<128x128xf32, #tpu.memory_space<vmem>>) target(%dma_start3A_33 : memref<10240x128xf32, #tpu.memory_space<vmem_shared>>) offsets(%dma_start3A_30 : memref<128xi32, #tpu.memory_space<vmem>>) semaphore(%run_scoped3A : memref<!tpu.dma_semaphore, #tpu.memory_space<semaphore_mem>>) {add = true}
        %dma_wait3A_34 = arith.constant 0 : i32
        %dma_wait3A_35 = tpu.memref_slice %arg8[%while3A_17, %dma_wait3A_34] : memref<80x128xi32, #tpu.memory_space<vmem>> -> memref<1x128xi32, #tpu.memory_space<vmem>>
        %dma_wait3A_36 = tpu.memref_squeeze %dma_wait3A_35 : memref<1x128xi32, #tpu.memory_space<vmem>> -> memref<128xi32, #tpu.memory_space<vmem>>
        %dma_wait3A_37 = arith.constant 0 : i32
        %dma_wait3A_38 = arith.constant 0 : i32
        %dma_wait3A_39 = tpu.memref_slice %arg10[%dma_wait3A_37, %dma_wait3A_38] : memref<10240x128xf32, #tpu.memory_space<vmem_shared>> -> memref<10240x128xf32, #tpu.memory_space<vmem_shared>>
        tpu.wait_indirect_dma semaphore(%run_scoped3A : memref<!tpu.dma_semaphore, #tpu.memory_space<semaphore_mem>>) src(%arg9 : memref<128x128xf32, #tpu.memory_space<vmem>>) dst(%dma_wait3A_39 : memref<10240x128xf32, #tpu.memory_space<vmem_shared>>)
        tpu.yield
      }) : () -> ()
    }
    %while3A_11 = arith.constant 1 : i32
    scf.for %while3A_17 = %while3A_9 to %while3A_5 step %while3A_11  : i32 {
      %dma_start3A = arith.constant 0 : i32
      %dma_start3A_18 = tpu.memref_slice %arg7[%while3A_17, %dma_start3A] : memref<80x128xi32, #tpu.memory_space<vmem>> -> memref<1x128xi32, #tpu.memory_space<vmem>>
      %dma_start3A_19 = tpu.memref_squeeze %dma_start3A_18 : memref<1x128xi32, #tpu.memory_space<vmem>> -> memref<128xi32, #tpu.memory_space<vmem>>
      %dma_start3A_20 = arith.constant 0 : i32
      %dma_start3A_21 = arith.constant 0 : i32
      %dma_start3A_22 = tpu.memref_slice %arg4[%dma_start3A_20, %dma_start3A_21] : memref<10240x128xf32, #tpu.memory_space<hbm>> -> memref<10240x128xf32, #tpu.memory_space<hbm>>
      tpu.enqueue_indirect_dma source(%dma_start3A_22 : memref<10240x128xf32, #tpu.memory_space<hbm>>) target(%arg9 : memref<128x128xf32, #tpu.memory_space<vmem>>) offsets(%dma_start3A_19 : memref<128xi32, #tpu.memory_space<vmem>>) semaphore(%arg11 : memref<!tpu.dma_semaphore, #tpu.memory_space<semaphore_mem>>)
      %dma_wait3A = arith.constant 0 : i32
      %dma_wait3A_23 = tpu.memref_slice %arg7[%while3A_17, %dma_wait3A] : memref<80x128xi32, #tpu.memory_space<vmem>> -> memref<1x128xi32, #tpu.memory_space<vmem>>
      %dma_wait3A_24 = tpu.memref_squeeze %dma_wait3A_23 : memref<1x128xi32, #tpu.memory_space<vmem>> -> memref<128xi32, #tpu.memory_space<vmem>>
      %dma_wait3A_25 = arith.constant 0 : i32
      %dma_wait3A_26 = arith.constant 0 : i32
      %dma_wait3A_27 = tpu.memref_slice %arg4[%dma_wait3A_25, %dma_wait3A_26] : memref<10240x128xf32, #tpu.memory_space<hbm>> -> memref<10240x128xf32, #tpu.memory_space<hbm>>
      tpu.wait_indirect_dma semaphore(%arg11 : memref<!tpu.dma_semaphore, #tpu.memory_space<semaphore_mem>>) src(%dma_wait3A_27 : memref<10240x128xf32, #tpu.memory_space<hbm>>) dst(%arg9 : memref<128x128xf32, #tpu.memory_space<vmem>>)
      "tpu.region"() ({
        %run_scoped3A = tpu.sem_alloc : memref<!tpu.dma_semaphore, #tpu.memory_space<semaphore_mem>>
        %dma_start3A_28 = arith.constant 0 : i32
        %dma_start3A_29 = tpu.memref_slice %arg8[%while3A_17, %dma_start3A_28] : memref<80x128xi32, #tpu.memory_space<vmem>> -> memref<1x128xi32, #tpu.memory_space<vmem>>
        %dma_start3A_30 = tpu.memref_squeeze %dma_start3A_29 : memref<1x128xi32, #tpu.memory_space<vmem>> -> memref<128xi32, #tpu.memory_space<vmem>>
        %dma_start3A_31 = arith.constant 0 : i32
        %dma_start3A_32 = arith.constant 0 : i32
        %dma_start3A_33 = tpu.memref_slice %arg10[%dma_start3A_31, %dma_start3A_32] : memref<10240x128xf32, #tpu.memory_space<vmem_shared>> -> memref<10240x128xf32, #tpu.memory_space<vmem_shared>>
        tpu.enqueue_indirect_dma source(%arg9 : memref<128x128xf32, #tpu.memory_space<vmem>>) target(%dma_start3A_33 : memref<10240x128xf32, #tpu.memory_space<vmem_shared>>) offsets(%dma_start3A_30 : memref<128xi32, #tpu.memory_space<vmem>>) semaphore(%run_scoped3A : memref<!tpu.dma_semaphore, #tpu.memory_space<semaphore_mem>>) {add = true}
        %dma_wait3A_34 = arith.constant 0 : i32
        %dma_wait3A_35 = tpu.memref_slice %arg8[%while3A_17, %dma_wait3A_34] : memref<80x128xi32, #tpu.memory_space<vmem>> -> memref<1x128xi32, #tpu.memory_space<vmem>>
        %dma_wait3A_36 = tpu.memref_squeeze %dma_wait3A_35 : memref<1x128xi32, #tpu.memory_space<vmem>> -> memref<128xi32, #tpu.memory_space<vmem>>
        %dma_wait3A_37 = arith.constant 0 : i32
        %dma_wait3A_38 = arith.constant 0 : i32
        %dma_wait3A_39 = tpu.memref_slice %arg10[%dma_wait3A_37, %dma_wait3A_38] : memref<10240x128xf32, #tpu.memory_space<vmem_shared>> -> memref<10240x128xf32, #tpu.memory_space<vmem_shared>>
        tpu.wait_indirect_dma semaphore(%run_scoped3A : memref<!tpu.dma_semaphore, #tpu.memory_space<semaphore_mem>>) src(%arg9 : memref<128x128xf32, #tpu.memory_space<vmem>>) dst(%dma_wait3A_39 : memref<10240x128xf32, #tpu.memory_space<vmem_shared>>)
        tpu.yield
      }) : () -> ()
    }
    %barrier3A_12 = arith.constant 0 : index
    tpu.barrier barrier_id(%barrier3A_12)
    %mul3A_13 = arith.constant 640 : i32
    %mul3A_14 = arith.muli %arg1, %mul3A_13 : i32
    %mul3A_15 = arith.constant 640 : i32
    %mul3A_16 = arith.muli %arg1, %mul3A_15 : i32
    "tpu.region"() ({
      %run_scoped3A = tpu.sem_alloc : memref<!tpu.dma_semaphore, #tpu.memory_space<semaphore_mem>>
      %dma_start3A = arith.constant 0 : i32
      %dma_start3A_17 = tpu.memref_slice %arg6[%arg0, %mul3A_16, %dma_start3A] : memref<2x10240x128xf32, #tpu.memory_space<hbm>> -> memref<1x640x128xf32, #tpu.memory_space<hbm>>
      %dma_start3A_18 = tpu.memref_squeeze %dma_start3A_17 : memref<1x640x128xf32, #tpu.memory_space<hbm>> -> memref<640x128xf32, #tpu.memory_space<hbm>>
      %dma_start3A_19 = arith.constant 0 : i32
      %dma_start3A_20 = tpu.memref_slice %arg10[%mul3A_14, %dma_start3A_19] : memref<10240x128xf32, #tpu.memory_space<vmem_shared>> -> memref<640x128xf32, #tpu.memory_space<vmem_shared>>
      tpu.enqueue_dma source(%dma_start3A_20 : memref<640x128xf32, #tpu.memory_space<vmem_shared>>) target(%dma_start3A_18 : memref<640x128xf32, #tpu.memory_space<hbm>>) target_semaphore(%run_scoped3A : memref<!tpu.dma_semaphore, #tpu.memory_space<semaphore_mem>>)
      %dma_wait3A = arith.constant 0 : i32
      %dma_wait3A_21 = tpu.memref_slice %arg6[%arg0, %mul3A_16, %dma_wait3A] : memref<2x10240x128xf32, #tpu.memory_space<hbm>> -> memref<1x640x128xf32, #tpu.memory_space<hbm>>
      %dma_wait3A_22 = tpu.memref_squeeze %dma_wait3A_21 : memref<1x640x128xf32, #tpu.memory_space<hbm>> -> memref<640x128xf32, #tpu.memory_space<hbm>>
      %dma_wait3A_23 = arith.constant 0 : i32
      %dma_wait3A_24 = tpu.memref_slice %arg10[%mul3A_14, %dma_wait3A_23] : memref<10240x128xf32, #tpu.memory_space<vmem_shared>> -> memref<640x128xf32, #tpu.memory_space<vmem_shared>>
      tpu.wait_dma2 semaphore(%run_scoped3A : memref<!tpu.dma_semaphore, #tpu.memory_space<semaphore_mem>>) src(%dma_wait3A_24 : memref<640x128xf32, #tpu.memory_space<vmem_shared>>) dst(%dma_wait3A_22 : memref<640x128xf32, #tpu.memory_space<hbm>>)
      tpu.yield
    }) : () -> ()
    return
  }
}

#map = affine_map<(d0, d1) -> (0, 0, 0, 0)>
#map1 = affine_map<(d0, d1) -> (0, 0, 0)>
#map2 = affine_map<(d0, d1) -> (0, 0)>
module attributes {stable_mosaic.version = 14 : i64} {
  func.func @agg_kernel(%arg0: i32, %arg1: i32, %arg2: memref<2x16x80x128xi32, #tpu.memory_space<hbm>>, %arg3: memref<16x80x128xi32, #tpu.memory_space<hbm>>, %arg4: memref<20480x128xf32, #tpu.memory_space<hbm>>, %arg5: memref<640x128xf32, #tpu.memory_space<hbm>>, %arg6: memref<2x10240x128xf32, #tpu.memory_space<hbm>>, %arg7: memref<80x128xi32, #tpu.memory_space<vmem>>, %arg8: memref<80x128xi32, #tpu.memory_space<vmem>>, %arg9: memref<128x128xf32, #tpu.memory_space<vmem>>, %arg10: memref<10240x128xf32, #tpu.memory_space<vmem_shared>>, %arg11: memref<!tpu.dma_semaphore, #tpu.memory_space<semaphore_mem>>) attributes {dimension_semantics = [#tpu.dimension_semantics<core_parallel>, #tpu.dimension_semantics<subcore_parallel>], iteration_bounds = array<i64: 2, 16>, scalar_prefetch = 0 : i64, scratch_operands = 5 : i64, tpu.core_type = #tpu.core_type<sc_vector_subcore>, window_params = [{transform_indices = #map}, {transform_indices = #map1}, {transform_indices = #map2}, {transform_indices = #map2}, {transform_indices = #map1}]} {
    "tpu.region"() ({
      %run_scoped3A = tpu.sem_alloc : memref<!tpu.dma_semaphore, #tpu.memory_space<semaphore_mem>>
      %dma_start3A = arith.constant 0 : i32
      %dma_start3A_11 = arith.constant 0 : i32
      %dma_start3A_12 = tpu.memref_slice %arg2[%arg0, %arg1, %dma_start3A, %dma_start3A_11] : memref<2x16x80x128xi32, #tpu.memory_space<hbm>> -> memref<1x1x80x128xi32, #tpu.memory_space<hbm>>
      %dma_start3A_13 = tpu.memref_squeeze %dma_start3A_12 : memref<1x1x80x128xi32, #tpu.memory_space<hbm>> -> memref<80x128xi32, #tpu.memory_space<hbm>>
      %dma_start3A_14 = arith.constant 0 : i32
      %dma_start3A_15 = arith.constant 0 : i32
      %dma_start3A_16 = tpu.memref_slice %arg2[%arg0, %arg1, %dma_start3A_14, %dma_start3A_15] : memref<2x16x80x128xi32, #tpu.memory_space<hbm>> -> memref<1x1x80x128xi32, #tpu.memory_space<hbm>>
      %dma_start3A_17 = tpu.memref_squeeze %dma_start3A_16 : memref<1x1x80x128xi32, #tpu.memory_space<hbm>> -> memref<80x128xi32, #tpu.memory_space<hbm>>
      tpu.enqueue_dma source(%dma_start3A_17 : memref<80x128xi32, #tpu.memory_space<hbm>>) target(%arg7 : memref<80x128xi32, #tpu.memory_space<vmem>>) target_semaphore(%run_scoped3A : memref<!tpu.dma_semaphore, #tpu.memory_space<semaphore_mem>>)
      %dma_wait3A = arith.constant 0 : i32
      %dma_wait3A_18 = arith.constant 0 : i32
      %dma_wait3A_19 = tpu.memref_slice %arg2[%arg0, %arg1, %dma_wait3A, %dma_wait3A_18] : memref<2x16x80x128xi32, #tpu.memory_space<hbm>> -> memref<1x1x80x128xi32, #tpu.memory_space<hbm>>
      %dma_wait3A_20 = tpu.memref_squeeze %dma_wait3A_19 : memref<1x1x80x128xi32, #tpu.memory_space<hbm>> -> memref<80x128xi32, #tpu.memory_space<hbm>>
      %dma_wait3A_21 = arith.constant 0 : i32
      %dma_wait3A_22 = arith.constant 0 : i32
      %dma_wait3A_23 = tpu.memref_slice %arg2[%arg0, %arg1, %dma_wait3A_21, %dma_wait3A_22] : memref<2x16x80x128xi32, #tpu.memory_space<hbm>> -> memref<1x1x80x128xi32, #tpu.memory_space<hbm>>
      %dma_wait3A_24 = tpu.memref_squeeze %dma_wait3A_23 : memref<1x1x80x128xi32, #tpu.memory_space<hbm>> -> memref<80x128xi32, #tpu.memory_space<hbm>>
      tpu.wait_dma2 semaphore(%run_scoped3A : memref<!tpu.dma_semaphore, #tpu.memory_space<semaphore_mem>>) src(%dma_wait3A_24 : memref<80x128xi32, #tpu.memory_space<hbm>>) dst(%arg7 : memref<80x128xi32, #tpu.memory_space<vmem>>)
      tpu.yield
    }) : () -> ()
    "tpu.region"() ({
      %run_scoped3A = tpu.sem_alloc : memref<!tpu.dma_semaphore, #tpu.memory_space<semaphore_mem>>
      %dma_start3A = arith.constant 0 : i32
      %dma_start3A_11 = arith.constant 0 : i32
      %dma_start3A_12 = tpu.memref_slice %arg3[%arg1, %dma_start3A, %dma_start3A_11] : memref<16x80x128xi32, #tpu.memory_space<hbm>> -> memref<1x80x128xi32, #tpu.memory_space<hbm>>
      %dma_start3A_13 = tpu.memref_squeeze %dma_start3A_12 : memref<1x80x128xi32, #tpu.memory_space<hbm>> -> memref<80x128xi32, #tpu.memory_space<hbm>>
      %dma_start3A_14 = arith.constant 0 : i32
      %dma_start3A_15 = arith.constant 0 : i32
      %dma_start3A_16 = tpu.memref_slice %arg3[%arg1, %dma_start3A_14, %dma_start3A_15] : memref<16x80x128xi32, #tpu.memory_space<hbm>> -> memref<1x80x128xi32, #tpu.memory_space<hbm>>
      %dma_start3A_17 = tpu.memref_squeeze %dma_start3A_16 : memref<1x80x128xi32, #tpu.memory_space<hbm>> -> memref<80x128xi32, #tpu.memory_space<hbm>>
      tpu.enqueue_dma source(%dma_start3A_17 : memref<80x128xi32, #tpu.memory_space<hbm>>) target(%arg8 : memref<80x128xi32, #tpu.memory_space<vmem>>) target_semaphore(%run_scoped3A : memref<!tpu.dma_semaphore, #tpu.memory_space<semaphore_mem>>)
      %dma_wait3A = arith.constant 0 : i32
      %dma_wait3A_18 = arith.constant 0 : i32
      %dma_wait3A_19 = tpu.memref_slice %arg3[%arg1, %dma_wait3A, %dma_wait3A_18] : memref<16x80x128xi32, #tpu.memory_space<hbm>> -> memref<1x80x128xi32, #tpu.memory_space<hbm>>
      %dma_wait3A_20 = tpu.memref_squeeze %dma_wait3A_19 : memref<1x80x128xi32, #tpu.memory_space<hbm>> -> memref<80x128xi32, #tpu.memory_space<hbm>>
      %dma_wait3A_21 = arith.constant 0 : i32
      %dma_wait3A_22 = arith.constant 0 : i32
      %dma_wait3A_23 = tpu.memref_slice %arg3[%arg1, %dma_wait3A_21, %dma_wait3A_22] : memref<16x80x128xi32, #tpu.memory_space<hbm>> -> memref<1x80x128xi32, #tpu.memory_space<hbm>>
      %dma_wait3A_24 = tpu.memref_squeeze %dma_wait3A_23 : memref<1x80x128xi32, #tpu.memory_space<hbm>> -> memref<80x128xi32, #tpu.memory_space<hbm>>
      tpu.wait_dma2 semaphore(%run_scoped3A : memref<!tpu.dma_semaphore, #tpu.memory_space<semaphore_mem>>) src(%dma_wait3A_24 : memref<80x128xi32, #tpu.memory_space<hbm>>) dst(%arg8 : memref<80x128xi32, #tpu.memory_space<vmem>>)
      tpu.yield
    }) : () -> ()
    %mul3A = arith.constant 640 : i32
    %mul3A_0 = arith.muli %arg1, %mul3A : i32
    "tpu.region"() ({
      %run_scoped3A = tpu.sem_alloc : memref<!tpu.dma_semaphore, #tpu.memory_space<semaphore_mem>>
      %dma_start3A = arith.constant 0 : i32
      %dma_start3A_11 = tpu.memref_slice %arg10[%mul3A_0, %dma_start3A] : memref<10240x128xf32, #tpu.memory_space<vmem_shared>> -> memref<640x128xf32, #tpu.memory_space<vmem_shared>>
      tpu.enqueue_dma source(%arg5 : memref<640x128xf32, #tpu.memory_space<hbm>>) target(%dma_start3A_11 : memref<640x128xf32, #tpu.memory_space<vmem_shared>>) target_semaphore(%run_scoped3A : memref<!tpu.dma_semaphore, #tpu.memory_space<semaphore_mem>>)
      %dma_wait3A = arith.constant 0 : i32
      %dma_wait3A_12 = tpu.memref_slice %arg10[%mul3A_0, %dma_wait3A] : memref<10240x128xf32, #tpu.memory_space<vmem_shared>> -> memref<640x128xf32, #tpu.memory_space<vmem_shared>>
      tpu.wait_dma2 semaphore(%run_scoped3A : memref<!tpu.dma_semaphore, #tpu.memory_space<semaphore_mem>>) src(%arg5 : memref<640x128xf32, #tpu.memory_space<hbm>>) dst(%dma_wait3A_12 : memref<640x128xf32, #tpu.memory_space<vmem_shared>>)
      tpu.yield
    }) : () -> ()
    %barrier3A = arith.constant 0 : index
    tpu.barrier barrier_id(%barrier3A)
    %scan3A = arith.constant 0 : i32
    %scan3A_1 = arith.constant 0 : i32
    %scan3A_2 = arith.constant 80 : i32
    %scan3A_3 = arith.addi %scan3A_1, %scan3A_2 : i32
    %scan3A_4 = arith.constant 1 : i32
    scf.for %scan3A_11 = %scan3A_1 to %scan3A_3 step %scan3A_4  : i32 {
      %dma_start3A = arith.constant 0 : i32
      %dma_start3A_12 = tpu.memref_slice %arg7[%scan3A_11, %dma_start3A] : memref<80x128xi32, #tpu.memory_space<vmem>> -> memref<1x128xi32, #tpu.memory_space<vmem>>
      %dma_start3A_13 = tpu.memref_squeeze %dma_start3A_12 : memref<1x128xi32, #tpu.memory_space<vmem>> -> memref<128xi32, #tpu.memory_space<vmem>>
      %dma_start3A_14 = arith.constant 0 : i32
      %dma_start3A_15 = arith.constant 0 : i32
      %dma_start3A_16 = tpu.memref_slice %arg4[%dma_start3A_14, %dma_start3A_15] : memref<20480x128xf32, #tpu.memory_space<hbm>> -> memref<20480x128xf32, #tpu.memory_space<hbm>>
      tpu.enqueue_indirect_dma source(%dma_start3A_16 : memref<20480x128xf32, #tpu.memory_space<hbm>>) target(%arg9 : memref<128x128xf32, #tpu.memory_space<vmem>>) offsets(%dma_start3A_13 : memref<128xi32, #tpu.memory_space<vmem>>) semaphore(%arg11 : memref<!tpu.dma_semaphore, #tpu.memory_space<semaphore_mem>>)
      %dma_wait3A = arith.constant 0 : i32
      %dma_wait3A_17 = tpu.memref_slice %arg7[%scan3A_11, %dma_wait3A] : memref<80x128xi32, #tpu.memory_space<vmem>> -> memref<1x128xi32, #tpu.memory_space<vmem>>
      %dma_wait3A_18 = tpu.memref_squeeze %dma_wait3A_17 : memref<1x128xi32, #tpu.memory_space<vmem>> -> memref<128xi32, #tpu.memory_space<vmem>>
      %dma_wait3A_19 = arith.constant 0 : i32
      %dma_wait3A_20 = arith.constant 0 : i32
      %dma_wait3A_21 = tpu.memref_slice %arg4[%dma_wait3A_19, %dma_wait3A_20] : memref<20480x128xf32, #tpu.memory_space<hbm>> -> memref<20480x128xf32, #tpu.memory_space<hbm>>
      tpu.wait_indirect_dma semaphore(%arg11 : memref<!tpu.dma_semaphore, #tpu.memory_space<semaphore_mem>>) src(%dma_wait3A_21 : memref<20480x128xf32, #tpu.memory_space<hbm>>) dst(%arg9 : memref<128x128xf32, #tpu.memory_space<vmem>>)
      "tpu.region"() ({
        %run_scoped3A = tpu.sem_alloc : memref<!tpu.dma_semaphore, #tpu.memory_space<semaphore_mem>>
        %dma_start3A_22 = arith.constant 0 : i32
        %dma_start3A_23 = tpu.memref_slice %arg8[%scan3A_11, %dma_start3A_22] : memref<80x128xi32, #tpu.memory_space<vmem>> -> memref<1x128xi32, #tpu.memory_space<vmem>>
        %dma_start3A_24 = tpu.memref_squeeze %dma_start3A_23 : memref<1x128xi32, #tpu.memory_space<vmem>> -> memref<128xi32, #tpu.memory_space<vmem>>
        %dma_start3A_25 = arith.constant 0 : i32
        %dma_start3A_26 = arith.constant 0 : i32
        %dma_start3A_27 = tpu.memref_slice %arg10[%dma_start3A_25, %dma_start3A_26] : memref<10240x128xf32, #tpu.memory_space<vmem_shared>> -> memref<10240x128xf32, #tpu.memory_space<vmem_shared>>
        tpu.enqueue_indirect_dma source(%arg9 : memref<128x128xf32, #tpu.memory_space<vmem>>) target(%dma_start3A_27 : memref<10240x128xf32, #tpu.memory_space<vmem_shared>>) offsets(%dma_start3A_24 : memref<128xi32, #tpu.memory_space<vmem>>) semaphore(%run_scoped3A : memref<!tpu.dma_semaphore, #tpu.memory_space<semaphore_mem>>) {add = true}
        %dma_wait3A_28 = arith.constant 0 : i32
        %dma_wait3A_29 = tpu.memref_slice %arg8[%scan3A_11, %dma_wait3A_28] : memref<80x128xi32, #tpu.memory_space<vmem>> -> memref<1x128xi32, #tpu.memory_space<vmem>>
        %dma_wait3A_30 = tpu.memref_squeeze %dma_wait3A_29 : memref<1x128xi32, #tpu.memory_space<vmem>> -> memref<128xi32, #tpu.memory_space<vmem>>
        %dma_wait3A_31 = arith.constant 0 : i32
        %dma_wait3A_32 = arith.constant 0 : i32
        %dma_wait3A_33 = tpu.memref_slice %arg10[%dma_wait3A_31, %dma_wait3A_32] : memref<10240x128xf32, #tpu.memory_space<vmem_shared>> -> memref<10240x128xf32, #tpu.memory_space<vmem_shared>>
        tpu.wait_indirect_dma semaphore(%run_scoped3A : memref<!tpu.dma_semaphore, #tpu.memory_space<semaphore_mem>>) src(%arg9 : memref<128x128xf32, #tpu.memory_space<vmem>>) dst(%dma_wait3A_33 : memref<10240x128xf32, #tpu.memory_space<vmem_shared>>)
        tpu.yield
      }) : () -> ()
    }
    %scan3A_5 = arith.constant 80 : i32
    %barrier3A_6 = arith.constant 0 : index
    tpu.barrier barrier_id(%barrier3A_6)
    %mul3A_7 = arith.constant 640 : i32
    %mul3A_8 = arith.muli %arg1, %mul3A_7 : i32
    %mul3A_9 = arith.constant 640 : i32
    %mul3A_10 = arith.muli %arg1, %mul3A_9 : i32
    "tpu.region"() ({
      %run_scoped3A = tpu.sem_alloc : memref<!tpu.dma_semaphore, #tpu.memory_space<semaphore_mem>>
      %dma_start3A = arith.constant 0 : i32
      %dma_start3A_11 = tpu.memref_slice %arg6[%arg0, %mul3A_10, %dma_start3A] : memref<2x10240x128xf32, #tpu.memory_space<hbm>> -> memref<1x640x128xf32, #tpu.memory_space<hbm>>
      %dma_start3A_12 = tpu.memref_squeeze %dma_start3A_11 : memref<1x640x128xf32, #tpu.memory_space<hbm>> -> memref<640x128xf32, #tpu.memory_space<hbm>>
      %dma_start3A_13 = arith.constant 0 : i32
      %dma_start3A_14 = tpu.memref_slice %arg10[%mul3A_8, %dma_start3A_13] : memref<10240x128xf32, #tpu.memory_space<vmem_shared>> -> memref<640x128xf32, #tpu.memory_space<vmem_shared>>
      tpu.enqueue_dma source(%dma_start3A_14 : memref<640x128xf32, #tpu.memory_space<vmem_shared>>) target(%dma_start3A_12 : memref<640x128xf32, #tpu.memory_space<hbm>>) target_semaphore(%run_scoped3A : memref<!tpu.dma_semaphore, #tpu.memory_space<semaphore_mem>>)
      %dma_wait3A = arith.constant 0 : i32
      %dma_wait3A_15 = tpu.memref_slice %arg6[%arg0, %mul3A_10, %dma_wait3A] : memref<2x10240x128xf32, #tpu.memory_space<hbm>> -> memref<1x640x128xf32, #tpu.memory_space<hbm>>
      %dma_wait3A_16 = tpu.memref_squeeze %dma_wait3A_15 : memref<1x640x128xf32, #tpu.memory_space<hbm>> -> memref<640x128xf32, #tpu.memory_space<hbm>>
      %dma_wait3A_17 = arith.constant 0 : i32
      %dma_wait3A_18 = tpu.memref_slice %arg10[%mul3A_8, %dma_wait3A_17] : memref<10240x128xf32, #tpu.memory_space<vmem_shared>> -> memref<640x128xf32, #tpu.memory_space<vmem_shared>>
      tpu.wait_dma2 semaphore(%run_scoped3A : memref<!tpu.dma_semaphore, #tpu.memory_space<semaphore_mem>>) src(%dma_wait3A_18 : memref<640x128xf32, #tpu.memory_space<vmem_shared>>) dst(%dma_wait3A_16 : memref<640x128xf32, #tpu.memory_space<hbm>>)
      tpu.yield
    }) : () -> ()
    return
  }
}

#map = affine_map<(d0, d1) -> (0, 0, 0)>
#map1 = affine_map<(d0, d1) -> (0, 0)>
module attributes {stable_mosaic.version = 14 : i64} {
  func.func @agg_kernel(%arg0: i32, %arg1: i32, %arg2: memref<16x80x128xi32, #tpu.memory_space<hbm>>, %arg3: memref<16x80x128xi32, #tpu.memory_space<hbm>>, %arg4: memref<10240x128xf32, #tpu.memory_space<hbm>>, %arg5: memref<640x128xf32, #tpu.memory_space<hbm>>, %arg6: memref<2x10240x128xf32, #tpu.memory_space<hbm>>, %arg7: memref<80x128xi32, #tpu.memory_space<vmem>>, %arg8: memref<80x128xi32, #tpu.memory_space<vmem>>, %arg9: memref<128x128xf32, #tpu.memory_space<vmem>>, %arg10: memref<10240x128xf32, #tpu.memory_space<vmem_shared>>, %arg11: memref<!tpu.dma_semaphore, #tpu.memory_space<semaphore_mem>>) attributes {dimension_semantics = [#tpu.dimension_semantics<core_parallel>, #tpu.dimension_semantics<subcore_parallel>], iteration_bounds = array<i64: 2, 16>, scalar_prefetch = 0 : i64, scratch_operands = 5 : i64, tpu.core_type = #tpu.core_type<sc_vector_subcore>, window_params = [{transform_indices = #map}, {transform_indices = #map}, {transform_indices = #map1}, {transform_indices = #map1}, {transform_indices = #map}]} {
    "tpu.region"() ({
      %run_scoped3A = tpu.sem_alloc : memref<!tpu.dma_semaphore, #tpu.memory_space<semaphore_mem>>
      %dma_start3A = arith.constant 0 : i32
      %dma_start3A_17 = arith.constant 0 : i32
      %dma_start3A_18 = tpu.memref_slice %arg2[%arg1, %dma_start3A, %dma_start3A_17] : memref<16x80x128xi32, #tpu.memory_space<hbm>> -> memref<1x80x128xi32, #tpu.memory_space<hbm>>
      %dma_start3A_19 = tpu.memref_squeeze %dma_start3A_18 : memref<1x80x128xi32, #tpu.memory_space<hbm>> -> memref<80x128xi32, #tpu.memory_space<hbm>>
      %dma_start3A_20 = arith.constant 0 : i32
      %dma_start3A_21 = arith.constant 0 : i32
      %dma_start3A_22 = tpu.memref_slice %arg2[%arg1, %dma_start3A_20, %dma_start3A_21] : memref<16x80x128xi32, #tpu.memory_space<hbm>> -> memref<1x80x128xi32, #tpu.memory_space<hbm>>
      %dma_start3A_23 = tpu.memref_squeeze %dma_start3A_22 : memref<1x80x128xi32, #tpu.memory_space<hbm>> -> memref<80x128xi32, #tpu.memory_space<hbm>>
      tpu.enqueue_dma source(%dma_start3A_23 : memref<80x128xi32, #tpu.memory_space<hbm>>) target(%arg7 : memref<80x128xi32, #tpu.memory_space<vmem>>) target_semaphore(%run_scoped3A : memref<!tpu.dma_semaphore, #tpu.memory_space<semaphore_mem>>)
      %dma_wait3A = arith.constant 0 : i32
      %dma_wait3A_24 = arith.constant 0 : i32
      %dma_wait3A_25 = tpu.memref_slice %arg2[%arg1, %dma_wait3A, %dma_wait3A_24] : memref<16x80x128xi32, #tpu.memory_space<hbm>> -> memref<1x80x128xi32, #tpu.memory_space<hbm>>
      %dma_wait3A_26 = tpu.memref_squeeze %dma_wait3A_25 : memref<1x80x128xi32, #tpu.memory_space<hbm>> -> memref<80x128xi32, #tpu.memory_space<hbm>>
      %dma_wait3A_27 = arith.constant 0 : i32
      %dma_wait3A_28 = arith.constant 0 : i32
      %dma_wait3A_29 = tpu.memref_slice %arg2[%arg1, %dma_wait3A_27, %dma_wait3A_28] : memref<16x80x128xi32, #tpu.memory_space<hbm>> -> memref<1x80x128xi32, #tpu.memory_space<hbm>>
      %dma_wait3A_30 = tpu.memref_squeeze %dma_wait3A_29 : memref<1x80x128xi32, #tpu.memory_space<hbm>> -> memref<80x128xi32, #tpu.memory_space<hbm>>
      tpu.wait_dma2 semaphore(%run_scoped3A : memref<!tpu.dma_semaphore, #tpu.memory_space<semaphore_mem>>) src(%dma_wait3A_30 : memref<80x128xi32, #tpu.memory_space<hbm>>) dst(%arg7 : memref<80x128xi32, #tpu.memory_space<vmem>>)
      tpu.yield
    }) : () -> ()
    %mul3A = arith.constant 40 : i32
    %mul3A_0 = arith.muli %mul3A, %arg0 : i32
    "tpu.region"() ({
      %run_scoped3A = tpu.sem_alloc : memref<!tpu.dma_semaphore, #tpu.memory_space<semaphore_mem>>
      %dma_start3A = arith.constant 0 : i32
      %dma_start3A_17 = arith.constant 0 : i32
      %dma_start3A_18 = tpu.memref_slice %arg3[%arg1, %dma_start3A, %dma_start3A_17] : memref<16x80x128xi32, #tpu.memory_space<hbm>> -> memref<1x80x128xi32, #tpu.memory_space<hbm>>
      %dma_start3A_19 = tpu.memref_squeeze %dma_start3A_18 : memref<1x80x128xi32, #tpu.memory_space<hbm>> -> memref<80x128xi32, #tpu.memory_space<hbm>>
      %dma_start3A_20 = arith.constant 0 : i32
      %dma_start3A_21 = arith.constant 0 : i32
      %dma_start3A_22 = tpu.memref_slice %arg3[%arg1, %dma_start3A_20, %dma_start3A_21] : memref<16x80x128xi32, #tpu.memory_space<hbm>> -> memref<1x80x128xi32, #tpu.memory_space<hbm>>
      %dma_start3A_23 = tpu.memref_squeeze %dma_start3A_22 : memref<1x80x128xi32, #tpu.memory_space<hbm>> -> memref<80x128xi32, #tpu.memory_space<hbm>>
      tpu.enqueue_dma source(%dma_start3A_23 : memref<80x128xi32, #tpu.memory_space<hbm>>) target(%arg8 : memref<80x128xi32, #tpu.memory_space<vmem>>) target_semaphore(%run_scoped3A : memref<!tpu.dma_semaphore, #tpu.memory_space<semaphore_mem>>)
      %dma_wait3A = arith.constant 0 : i32
      %dma_wait3A_24 = arith.constant 0 : i32
      %dma_wait3A_25 = tpu.memref_slice %arg3[%arg1, %dma_wait3A, %dma_wait3A_24] : memref<16x80x128xi32, #tpu.memory_space<hbm>> -> memref<1x80x128xi32, #tpu.memory_space<hbm>>
      %dma_wait3A_26 = tpu.memref_squeeze %dma_wait3A_25 : memref<1x80x128xi32, #tpu.memory_space<hbm>> -> memref<80x128xi32, #tpu.memory_space<hbm>>
      %dma_wait3A_27 = arith.constant 0 : i32
      %dma_wait3A_28 = arith.constant 0 : i32
      %dma_wait3A_29 = tpu.memref_slice %arg3[%arg1, %dma_wait3A_27, %dma_wait3A_28] : memref<16x80x128xi32, #tpu.memory_space<hbm>> -> memref<1x80x128xi32, #tpu.memory_space<hbm>>
      %dma_wait3A_30 = tpu.memref_squeeze %dma_wait3A_29 : memref<1x80x128xi32, #tpu.memory_space<hbm>> -> memref<80x128xi32, #tpu.memory_space<hbm>>
      tpu.wait_dma2 semaphore(%run_scoped3A : memref<!tpu.dma_semaphore, #tpu.memory_space<semaphore_mem>>) src(%dma_wait3A_30 : memref<80x128xi32, #tpu.memory_space<hbm>>) dst(%arg8 : memref<80x128xi32, #tpu.memory_space<vmem>>)
      tpu.yield
    }) : () -> ()
    %mul3A_1 = arith.constant 640 : i32
    %mul3A_2 = arith.muli %arg1, %mul3A_1 : i32
    "tpu.region"() ({
      %run_scoped3A = tpu.sem_alloc : memref<!tpu.dma_semaphore, #tpu.memory_space<semaphore_mem>>
      %dma_start3A = arith.constant 0 : i32
      %dma_start3A_17 = tpu.memref_slice %arg10[%mul3A_2, %dma_start3A] : memref<10240x128xf32, #tpu.memory_space<vmem_shared>> -> memref<640x128xf32, #tpu.memory_space<vmem_shared>>
      tpu.enqueue_dma source(%arg5 : memref<640x128xf32, #tpu.memory_space<hbm>>) target(%dma_start3A_17 : memref<640x128xf32, #tpu.memory_space<vmem_shared>>) target_semaphore(%run_scoped3A : memref<!tpu.dma_semaphore, #tpu.memory_space<semaphore_mem>>)
      %dma_wait3A = arith.constant 0 : i32
      %dma_wait3A_18 = tpu.memref_slice %arg10[%mul3A_2, %dma_wait3A] : memref<10240x128xf32, #tpu.memory_space<vmem_shared>> -> memref<640x128xf32, #tpu.memory_space<vmem_shared>>
      tpu.wait_dma2 semaphore(%run_scoped3A : memref<!tpu.dma_semaphore, #tpu.memory_space<semaphore_mem>>) src(%arg5 : memref<640x128xf32, #tpu.memory_space<hbm>>) dst(%dma_wait3A_18 : memref<640x128xf32, #tpu.memory_space<vmem_shared>>)
      tpu.yield
    }) : () -> ()
    %barrier3A = arith.constant 0 : index
    tpu.barrier barrier_id(%barrier3A)
    %add3A = arith.constant 40 : i32
    %add3A_3 = arith.addi %mul3A_0, %add3A : i32
    %while3A = arith.constant 0 : i32
    %while3A_4 = arith.subi %add3A_3, %mul3A_0 : i32
    %while3A_5 = arith.addi %mul3A_0, %while3A_4 : i32
    %while3A_6 = arith.constant 1 : i32
    %while3A_7 = arith.divsi %while3A_4, %while3A_6 : i32
    %while3A_8 = arith.muli %while3A_7, %while3A_6 : i32
    %while3A_9 = arith.addi %mul3A_0, %while3A_8 : i32
    %while3A_10 = arith.constant 1 : i32
    scf.for %while3A_17 = %mul3A_0 to %while3A_9 step %while3A_10  : i32 {
      %dma_start3A = arith.constant 0 : i32
      %dma_start3A_18 = tpu.memref_slice %arg7[%while3A_17, %dma_start3A] : memref<80x128xi32, #tpu.memory_space<vmem>> -> memref<1x128xi32, #tpu.memory_space<vmem>>
      %dma_start3A_19 = tpu.memref_squeeze %dma_start3A_18 : memref<1x128xi32, #tpu.memory_space<vmem>> -> memref<128xi32, #tpu.memory_space<vmem>>
      %dma_start3A_20 = arith.constant 0 : i32
      %dma_start3A_21 = arith.constant 0 : i32
      %dma_start3A_22 = tpu.memref_slice %arg4[%dma_start3A_20, %dma_start3A_21] : memref<10240x128xf32, #tpu.memory_space<hbm>> -> memref<10240x128xf32, #tpu.memory_space<hbm>>
      tpu.enqueue_indirect_dma source(%dma_start3A_22 : memref<10240x128xf32, #tpu.memory_space<hbm>>) target(%arg9 : memref<128x128xf32, #tpu.memory_space<vmem>>) offsets(%dma_start3A_19 : memref<128xi32, #tpu.memory_space<vmem>>) semaphore(%arg11 : memref<!tpu.dma_semaphore, #tpu.memory_space<semaphore_mem>>)
      %dma_wait3A = arith.constant 0 : i32
      %dma_wait3A_23 = tpu.memref_slice %arg7[%while3A_17, %dma_wait3A] : memref<80x128xi32, #tpu.memory_space<vmem>> -> memref<1x128xi32, #tpu.memory_space<vmem>>
      %dma_wait3A_24 = tpu.memref_squeeze %dma_wait3A_23 : memref<1x128xi32, #tpu.memory_space<vmem>> -> memref<128xi32, #tpu.memory_space<vmem>>
      %dma_wait3A_25 = arith.constant 0 : i32
      %dma_wait3A_26 = arith.constant 0 : i32
      %dma_wait3A_27 = tpu.memref_slice %arg4[%dma_wait3A_25, %dma_wait3A_26] : memref<10240x128xf32, #tpu.memory_space<hbm>> -> memref<10240x128xf32, #tpu.memory_space<hbm>>
      tpu.wait_indirect_dma semaphore(%arg11 : memref<!tpu.dma_semaphore, #tpu.memory_space<semaphore_mem>>) src(%dma_wait3A_27 : memref<10240x128xf32, #tpu.memory_space<hbm>>) dst(%arg9 : memref<128x128xf32, #tpu.memory_space<vmem>>)
      "tpu.region"() ({
        %run_scoped3A = tpu.sem_alloc : memref<!tpu.dma_semaphore, #tpu.memory_space<semaphore_mem>>
        %dma_start3A_28 = arith.constant 0 : i32
        %dma_start3A_29 = tpu.memref_slice %arg8[%while3A_17, %dma_start3A_28] : memref<80x128xi32, #tpu.memory_space<vmem>> -> memref<1x128xi32, #tpu.memory_space<vmem>>
        %dma_start3A_30 = tpu.memref_squeeze %dma_start3A_29 : memref<1x128xi32, #tpu.memory_space<vmem>> -> memref<128xi32, #tpu.memory_space<vmem>>
        %dma_start3A_31 = arith.constant 0 : i32
        %dma_start3A_32 = arith.constant 0 : i32
        %dma_start3A_33 = tpu.memref_slice %arg10[%dma_start3A_31, %dma_start3A_32] : memref<10240x128xf32, #tpu.memory_space<vmem_shared>> -> memref<10240x128xf32, #tpu.memory_space<vmem_shared>>
        tpu.enqueue_indirect_dma source(%arg9 : memref<128x128xf32, #tpu.memory_space<vmem>>) target(%dma_start3A_33 : memref<10240x128xf32, #tpu.memory_space<vmem_shared>>) offsets(%dma_start3A_30 : memref<128xi32, #tpu.memory_space<vmem>>) semaphore(%run_scoped3A : memref<!tpu.dma_semaphore, #tpu.memory_space<semaphore_mem>>) {add = true}
        %dma_wait3A_34 = arith.constant 0 : i32
        %dma_wait3A_35 = tpu.memref_slice %arg8[%while3A_17, %dma_wait3A_34] : memref<80x128xi32, #tpu.memory_space<vmem>> -> memref<1x128xi32, #tpu.memory_space<vmem>>
        %dma_wait3A_36 = tpu.memref_squeeze %dma_wait3A_35 : memref<1x128xi32, #tpu.memory_space<vmem>> -> memref<128xi32, #tpu.memory_space<vmem>>
        %dma_wait3A_37 = arith.constant 0 : i32
        %dma_wait3A_38 = arith.constant 0 : i32
        %dma_wait3A_39 = tpu.memref_slice %arg10[%dma_wait3A_37, %dma_wait3A_38] : memref<10240x128xf32, #tpu.memory_space<vmem_shared>> -> memref<10240x128xf32, #tpu.memory_space<vmem_shared>>
        tpu.wait_indirect_dma semaphore(%run_scoped3A : memref<!tpu.dma_semaphore, #tpu.memory_space<semaphore_mem>>) src(%arg9 : memref<128x128xf32, #tpu.memory_space<vmem>>) dst(%dma_wait3A_39 : memref<10240x128xf32, #tpu.memory_space<vmem_shared>>)
        tpu.yield
      }) : () -> ()
    }
    %while3A_11 = arith.constant 1 : i32
    scf.for %while3A_17 = %while3A_9 to %while3A_5 step %while3A_11  : i32 {
      %dma_start3A = arith.constant 0 : i32
      %dma_start3A_18 = tpu.memref_slice %arg7[%while3A_17, %dma_start3A] : memref<80x128xi32, #tpu.memory_space<vmem>> -> memref<1x128xi32, #tpu.memory_space<vmem>>
      %dma_start3A_19 = tpu.memref_squeeze %dma_start3A_18 : memref<1x128xi32, #tpu.memory_space<vmem>> -> memref<128xi32, #tpu.memory_space<vmem>>
      %dma_start3A_20 = arith.constant 0 : i32
      %dma_start3A_21 = arith.constant 0 : i32
      %dma_start3A_22 = tpu.memref_slice %arg4[%dma_start3A_20, %dma_start3A_21] : memref<10240x128xf32, #tpu.memory_space<hbm>> -> memref<10240x128xf32, #tpu.memory_space<hbm>>
      tpu.enqueue_indirect_dma source(%dma_start3A_22 : memref<10240x128xf32, #tpu.memory_space<hbm>>) target(%arg9 : memref<128x128xf32, #tpu.memory_space<vmem>>) offsets(%dma_start3A_19 : memref<128xi32, #tpu.memory_space<vmem>>) semaphore(%arg11 : memref<!tpu.dma_semaphore, #tpu.memory_space<semaphore_mem>>)
      %dma_wait3A = arith.constant 0 : i32
      %dma_wait3A_23 = tpu.memref_slice %arg7[%while3A_17, %dma_wait3A] : memref<80x128xi32, #tpu.memory_space<vmem>> -> memref<1x128xi32, #tpu.memory_space<vmem>>
      %dma_wait3A_24 = tpu.memref_squeeze %dma_wait3A_23 : memref<1x128xi32, #tpu.memory_space<vmem>> -> memref<128xi32, #tpu.memory_space<vmem>>
      %dma_wait3A_25 = arith.constant 0 : i32
      %dma_wait3A_26 = arith.constant 0 : i32
      %dma_wait3A_27 = tpu.memref_slice %arg4[%dma_wait3A_25, %dma_wait3A_26] : memref<10240x128xf32, #tpu.memory_space<hbm>> -> memref<10240x128xf32, #tpu.memory_space<hbm>>
      tpu.wait_indirect_dma semaphore(%arg11 : memref<!tpu.dma_semaphore, #tpu.memory_space<semaphore_mem>>) src(%dma_wait3A_27 : memref<10240x128xf32, #tpu.memory_space<hbm>>) dst(%arg9 : memref<128x128xf32, #tpu.memory_space<vmem>>)
      "tpu.region"() ({
        %run_scoped3A = tpu.sem_alloc : memref<!tpu.dma_semaphore, #tpu.memory_space<semaphore_mem>>
        %dma_start3A_28 = arith.constant 0 : i32
        %dma_start3A_29 = tpu.memref_slice %arg8[%while3A_17, %dma_start3A_28] : memref<80x128xi32, #tpu.memory_space<vmem>> -> memref<1x128xi32, #tpu.memory_space<vmem>>
        %dma_start3A_30 = tpu.memref_squeeze %dma_start3A_29 : memref<1x128xi32, #tpu.memory_space<vmem>> -> memref<128xi32, #tpu.memory_space<vmem>>
        %dma_start3A_31 = arith.constant 0 : i32
        %dma_start3A_32 = arith.constant 0 : i32
        %dma_start3A_33 = tpu.memref_slice %arg10[%dma_start3A_31, %dma_start3A_32] : memref<10240x128xf32, #tpu.memory_space<vmem_shared>> -> memref<10240x128xf32, #tpu.memory_space<vmem_shared>>
        tpu.enqueue_indirect_dma source(%arg9 : memref<128x128xf32, #tpu.memory_space<vmem>>) target(%dma_start3A_33 : memref<10240x128xf32, #tpu.memory_space<vmem_shared>>) offsets(%dma_start3A_30 : memref<128xi32, #tpu.memory_space<vmem>>) semaphore(%run_scoped3A : memref<!tpu.dma_semaphore, #tpu.memory_space<semaphore_mem>>) {add = true}
        %dma_wait3A_34 = arith.constant 0 : i32
        %dma_wait3A_35 = tpu.memref_slice %arg8[%while3A_17, %dma_wait3A_34] : memref<80x128xi32, #tpu.memory_space<vmem>> -> memref<1x128xi32, #tpu.memory_space<vmem>>
        %dma_wait3A_36 = tpu.memref_squeeze %dma_wait3A_35 : memref<1x128xi32, #tpu.memory_space<vmem>> -> memref<128xi32, #tpu.memory_space<vmem>>
        %dma_wait3A_37 = arith.constant 0 : i32
        %dma_wait3A_38 = arith.constant 0 : i32
        %dma_wait3A_39 = tpu.memref_slice %arg10[%dma_wait3A_37, %dma_wait3A_38] : memref<10240x128xf32, #tpu.memory_space<vmem_shared>> -> memref<10240x128xf32, #tpu.memory_space<vmem_shared>>
        tpu.wait_indirect_dma semaphore(%run_scoped3A : memref<!tpu.dma_semaphore, #tpu.memory_space<semaphore_mem>>) src(%arg9 : memref<128x128xf32, #tpu.memory_space<vmem>>) dst(%dma_wait3A_39 : memref<10240x128xf32, #tpu.memory_space<vmem_shared>>)
        tpu.yield
      }) : () -> ()
    }
    %barrier3A_12 = arith.constant 0 : index
    tpu.barrier barrier_id(%barrier3A_12)
    %mul3A_13 = arith.constant 640 : i32
    %mul3A_14 = arith.muli %arg1, %mul3A_13 : i32
    %mul3A_15 = arith.constant 640 : i32
    %mul3A_16 = arith.muli %arg1, %mul3A_15 : i32
    "tpu.region"() ({
      %run_scoped3A = tpu.sem_alloc : memref<!tpu.dma_semaphore, #tpu.memory_space<semaphore_mem>>
      %dma_start3A = arith.constant 0 : i32
      %dma_start3A_17 = tpu.memref_slice %arg6[%arg0, %mul3A_16, %dma_start3A] : memref<2x10240x128xf32, #tpu.memory_space<hbm>> -> memref<1x640x128xf32, #tpu.memory_space<hbm>>
      %dma_start3A_18 = tpu.memref_squeeze %dma_start3A_17 : memref<1x640x128xf32, #tpu.memory_space<hbm>> -> memref<640x128xf32, #tpu.memory_space<hbm>>
      %dma_start3A_19 = arith.constant 0 : i32
      %dma_start3A_20 = tpu.memref_slice %arg10[%mul3A_14, %dma_start3A_19] : memref<10240x128xf32, #tpu.memory_space<vmem_shared>> -> memref<640x128xf32, #tpu.memory_space<vmem_shared>>
      tpu.enqueue_dma source(%dma_start3A_20 : memref<640x128xf32, #tpu.memory_space<vmem_shared>>) target(%dma_start3A_18 : memref<640x128xf32, #tpu.memory_space<hbm>>) target_semaphore(%run_scoped3A : memref<!tpu.dma_semaphore, #tpu.memory_space<semaphore_mem>>)
      %dma_wait3A = arith.constant 0 : i32
      %dma_wait3A_21 = tpu.memref_slice %arg6[%arg0, %mul3A_16, %dma_wait3A] : memref<2x10240x128xf32, #tpu.memory_space<hbm>> -> memref<1x640x128xf32, #tpu.memory_space<hbm>>
      %dma_wait3A_22 = tpu.memref_squeeze %dma_wait3A_21 : memref<1x640x128xf32, #tpu.memory_space<hbm>> -> memref<640x128xf32, #tpu.memory_space<hbm>>
      %dma_wait3A_23 = arith.constant 0 : i32
      %dma_wait3A_24 = tpu.memref_slice %arg10[%mul3A_14, %dma_wait3A_23] : memref<10240x128xf32, #tpu.memory_space<vmem_shared>> -> memref<640x128xf32, #tpu.memory_space<vmem_shared>>
      tpu.wait_dma2 semaphore(%run_scoped3A : memref<!tpu.dma_semaphore, #tpu.memory_space<semaphore_mem>>) src(%dma_wait3A_24 : memref<640x128xf32, #tpu.memory_space<vmem_shared>>) dst(%dma_wait3A_22 : memref<640x128xf32, #tpu.memory_space<hbm>>)
      tpu.yield
    }) : () -> ()
    return
  }
}

module attributes {stable_mosaic.version = 14 : i64} {
  func.func @_tc_first_body(%arg0: i32, %arg1: memref<512x256xf32, #tpu.memory_space<vmem>>, %arg2: memref<256x256xf32, #tpu.memory_space<vmem>>, %arg3: memref<512x128xf32, #tpu.memory_space<vmem>>, %arg4: memref<512x128xf32, #tpu.memory_space<vmem>>, %arg5: memref<512x256xf32, #tpu.memory_space<vmem>>, %arg6: memref<512x1xf32, #tpu.memory_space<vmem>>) attributes {dimension_semantics = [#tpu.dimension_semantics<arbitrary>], iteration_bounds = array<i64: 20>, scalar_prefetch = 0 : i64, scratch_operands = 0 : i64, tpu.core_type = #tpu.core_type<tc>, window_params = [{transform_indices = @transform_0, window_bounds = array<i64: 512, 256>}, {pipeline_mode = #tpu.pipeline_mode<synchronous>, transform_indices = @transform_1, window_bounds = array<i64: 256, 256>}, {transform_indices = @transform_2, window_bounds = array<i64: 512, 128>}, {transform_indices = @transform_3, window_bounds = array<i64: 512, 128>}, {transform_indices = @transform_4, window_bounds = array<i64: 512, 256>}, {transform_indices = @transform_5, window_bounds = array<i64: 512, 1>}]} {
    %get3A = arith.constant 0 : index
    %get3A_0 = arith.constant 0 : index
    %get3A_1 = vector.load %arg3[%get3A, %get3A_0] : memref<512x128xf32, #tpu.memory_space<vmem>>, vector<512x1xf32>
    %add3A = arith.constant 1.000000e+00 : f32
    %add3A_2 = vector.broadcast %add3A : f32 to vector<512x1xf32>
    %add3A_3 = arith.addf %add3A_2, %get3A_1 : vector<512x1xf32>
    %get3A_4 = arith.constant 0 : index
    %get3A_5 = arith.constant 0 : index
    %get3A_6 = vector.load %arg4[%get3A_4, %get3A_5] : memref<512x128xf32, #tpu.memory_space<vmem>>, vector<512x1xf32>
    %add3A_7 = arith.addf %add3A_3, %get3A_6 : vector<512x1xf32>
    %rsqrt3A = math.rsqrt %add3A_7 : vector<512x1xf32>
    %swap3A = arith.constant 0 : index
    %swap3A_8 = arith.constant 0 : index
    %swap3A_9 = vector.load %arg6[%swap3A, %swap3A_8] : memref<512x1xf32, #tpu.memory_space<vmem>>, vector<512x1xf32>
    tpu.vector_store %arg6[%swap3A, %swap3A_8], %rsqrt3A {strides = array<i32>} : memref<512x1xf32, #tpu.memory_space<vmem>>, vector<512x1xf32>,
    %get3A_10 = arith.constant 0 : index
    %get3A_11 = arith.constant 0 : index
    %get3A_12 = vector.load %arg1[%get3A_10, %get3A_11] : memref<512x256xf32, #tpu.memory_space<vmem>>, vector<512x256xf32>
    %get3A_13 = arith.constant 0 : index
    %get3A_14 = arith.constant 0 : index
    %get3A_15 = vector.load %arg2[%get3A_13, %get3A_14] : memref<256x256xf32, #tpu.memory_space<vmem>>, vector<256x256xf32>
    %dot_general3A = arith.constant dense<0.000000e+00> : vector<512x256xf32>
    %dot_general3A_16 = tpu.matmul %get3A_12, %get3A_15, %dot_general3A {dimension_numbers = #tpu.dot_dimension_numbers<[1], [0], [0], [1], [0, 0, 1, 1], [], []>, transpose_lhs_hint = false} : vector<512x256xf32>, vector<256x256xf32>, vector<512x256xf32> -> vector<512x256xf32>
    %mul3A = vector.broadcast %rsqrt3A : vector<512x1xf32> to vector<512x256xf32>
    %mul3A_17 = arith.mulf %dot_general3A_16, %mul3A : vector<512x256xf32>
    %swap3A_18 = arith.constant 0 : index
    %swap3A_19 = arith.constant 0 : index
    %swap3A_20 = vector.load %arg5[%swap3A_18, %swap3A_19] : memref<512x256xf32, #tpu.memory_space<vmem>>, vector<512x256xf32>
    tpu.vector_store %arg5[%swap3A_18, %swap3A_19], %mul3A_17 {strides = array<i32>} : memref<512x256xf32, #tpu.memory_space<vmem>>, vector<512x256xf32>,
    return
  }
  func.func @transform_0(%arg0: i32) -> (i32, i32) {
    %c0_i32 = arith.constant 0 : i32
    %c0_i32_0 = arith.constant 0 : i32
    return %arg0, %c0_i32 : i32, i32
  }
  func.func @transform_1(%arg0: i32) -> (i32, i32) {
    %c0_i32 = arith.constant 0 : i32
    %c0_i32_0 = arith.constant 0 : i32
    %c0_i32_1 = arith.constant 0 : i32
    return %c0_i32, %c0_i32_0 : i32, i32
  }
  func.func @transform_2(%arg0: i32) -> (i32, i32) {
    %c0_i32 = arith.constant 0 : i32
    %c0_i32_0 = arith.constant 0 : i32
    return %arg0, %c0_i32 : i32, i32
  }
  func.func @transform_3(%arg0: i32) -> (i32, i32) {
    %c0_i32 = arith.constant 0 : i32
    %c0_i32_0 = arith.constant 0 : i32
    return %arg0, %c0_i32 : i32, i32
  }
  func.func @transform_4(%arg0: i32) -> (i32, i32) {
    %c0_i32 = arith.constant 0 : i32
    %c0_i32_0 = arith.constant 0 : i32
    return %arg0, %c0_i32 : i32, i32
  }
  func.func @transform_5(%arg0: i32) -> (i32, i32) {
    %c0_i32 = arith.constant 0 : i32
    %c0_i32_0 = arith.constant 0 : i32
    return %arg0, %c0_i32 : i32, i32
  }
}

module attributes {stable_mosaic.version = 14 : i64} {
  func.func @_tc_mid_body(%arg0: i32, %arg1: memref<512x128xf32, #tpu.memory_space<vmem>>, %arg2: memref<512x128xf32, #tpu.memory_space<vmem>>, %arg3: memref<512x256xf32, #tpu.memory_space<vmem>>, %arg4: memref<512x1xf32, #tpu.memory_space<vmem>>, %arg5: memref<1x256xf32, #tpu.memory_space<vmem>>, %arg6: memref<256x128xf32, #tpu.memory_space<vmem>>, %arg7: memref<512x128xf32, #tpu.memory_space<vmem>>) attributes {dimension_semantics = [#tpu.dimension_semantics<arbitrary>], iteration_bounds = array<i64: 20>, scalar_prefetch = 0 : i64, scratch_operands = 0 : i64, tpu.core_type = #tpu.core_type<tc>, window_params = [{transform_indices = @transform_0, window_bounds = array<i64: 512, 128>}, {transform_indices = @transform_1, window_bounds = array<i64: 512, 128>}, {transform_indices = @transform_2, window_bounds = array<i64: 512, 256>}, {transform_indices = @transform_3, window_bounds = array<i64: 512, 1>}, {pipeline_mode = #tpu.pipeline_mode<synchronous>, transform_indices = @transform_4, window_bounds = array<i64: 1, 256>}, {pipeline_mode = #tpu.pipeline_mode<synchronous>, transform_indices = @transform_5, window_bounds = array<i64: 256, 128>}, {transform_indices = @transform_6, window_bounds = array<i64: 512, 128>}]} {
    %get3A = arith.constant 0 : index
    %get3A_0 = arith.constant 0 : index
    %get3A_1 = vector.load %arg1[%get3A, %get3A_0] : memref<512x128xf32, #tpu.memory_space<vmem>>, vector<512x128xf32>
    %get3A_2 = arith.constant 0 : index
    %get3A_3 = arith.constant 0 : index
    %get3A_4 = vector.load %arg2[%get3A_2, %get3A_3] : memref<512x128xf32, #tpu.memory_space<vmem>>, vector<512x128xf32>
    %concatenate3A = tpu.concatenate %get3A_1, %get3A_4 in 1 : vector<512x128xf32>, vector<512x128xf32> -> vector<512x256xf32>
    %get3A_5 = arith.constant 0 : index
    %get3A_6 = arith.constant 0 : index
    %get3A_7 = vector.load %arg3[%get3A_5, %get3A_6] : memref<512x256xf32, #tpu.memory_space<vmem>>, vector<512x256xf32>
    %add3A = arith.addf %concatenate3A, %get3A_7 : vector<512x256xf32>
    %get3A_8 = arith.constant 0 : index
    %get3A_9 = arith.constant 0 : index
    %get3A_10 = vector.load %arg4[%get3A_8, %get3A_9] : memref<512x1xf32, #tpu.memory_space<vmem>>, vector<512x1xf32>
    %mul3A = vector.broadcast %get3A_10 : vector<512x1xf32> to vector<512x256xf32>
    %mul3A_11 = arith.mulf %add3A, %mul3A : vector<512x256xf32>
    %get3A_12 = arith.constant 0 : index
    %get3A_13 = arith.constant 0 : index
    %get3A_14 = vector.load %arg5[%get3A_12, %get3A_13] : memref<1x256xf32, #tpu.memory_space<vmem>>, vector<1x256xf32>
    %add3A_15 = vector.broadcast %get3A_14 : vector<1x256xf32> to vector<512x256xf32>
    %add3A_16 = arith.addf %mul3A_11, %add3A_15 : vector<512x256xf32>
    %max3A = arith.constant 0.000000e+00 : f32
    %max3A_17 = vector.broadcast %max3A : f32 to vector<512x256xf32>
    %max3A_18 = arith.maximumf %add3A_16, %max3A_17 : vector<512x256xf32>
    %get3A_19 = arith.constant 0 : index
    %get3A_20 = arith.constant 0 : index
    %get3A_21 = vector.load %arg6[%get3A_19, %get3A_20] : memref<256x128xf32, #tpu.memory_space<vmem>>, vector<256x128xf32>
    %dot_general3A = arith.constant dense<0.000000e+00> : vector<512x128xf32>
    %dot_general3A_22 = tpu.matmul %max3A_18, %get3A_21, %dot_general3A {dimension_numbers = #tpu.dot_dimension_numbers<[1], [0], [0], [1], [0, 0, 1, 1], [], []>, transpose_lhs_hint = false} : vector<512x256xf32>, vector<256x128xf32>, vector<512x128xf32> -> vector<512x128xf32>
    %get3A_23 = arith.constant 0 : index
    %get3A_24 = arith.constant 0 : index
    %get3A_25 = vector.load %arg4[%get3A_23, %get3A_24] : memref<512x1xf32, #tpu.memory_space<vmem>>, vector<512x1xf32>
    %mul3A_26 = vector.broadcast %get3A_25 : vector<512x1xf32> to vector<512x128xf32>
    %mul3A_27 = arith.mulf %dot_general3A_22, %mul3A_26 : vector<512x128xf32>
    %swap3A = arith.constant 0 : index
    %swap3A_28 = arith.constant 0 : index
    %swap3A_29 = vector.load %arg7[%swap3A, %swap3A_28] : memref<512x128xf32, #tpu.memory_space<vmem>>, vector<512x128xf32>
    tpu.vector_store %arg7[%swap3A, %swap3A_28], %mul3A_27 {strides = array<i32>} : memref<512x128xf32, #tpu.memory_space<vmem>>, vector<512x128xf32>,
    return
  }
  func.func @transform_0(%arg0: i32) -> (i32, i32) {
    %c0_i32 = arith.constant 0 : i32
    %c0_i32_0 = arith.constant 0 : i32
    return %arg0, %c0_i32 : i32, i32
  }
  func.func @transform_1(%arg0: i32) -> (i32, i32) {
    %c0_i32 = arith.constant 0 : i32
    %c0_i32_0 = arith.constant 0 : i32
    return %arg0, %c0_i32 : i32, i32
  }
  func.func @transform_2(%arg0: i32) -> (i32, i32) {
    %c0_i32 = arith.constant 0 : i32
    %c0_i32_0 = arith.constant 0 : i32
    return %arg0, %c0_i32 : i32, i32
  }
  func.func @transform_3(%arg0: i32) -> (i32, i32) {
    %c0_i32 = arith.constant 0 : i32
    %c0_i32_0 = arith.constant 0 : i32
    return %arg0, %c0_i32 : i32, i32
  }
  func.func @transform_4(%arg0: i32) -> (i32, i32) {
    %c0_i32 = arith.constant 0 : i32
    %c0_i32_0 = arith.constant 0 : i32
    %c0_i32_1 = arith.constant 0 : i32
    return %c0_i32, %c0_i32_0 : i32, i32
  }
  func.func @transform_5(%arg0: i32) -> (i32, i32) {
    %c0_i32 = arith.constant 0 : i32
    %c0_i32_0 = arith.constant 0 : i32
    %c0_i32_1 = arith.constant 0 : i32
    return %c0_i32, %c0_i32_0 : i32, i32
  }
  func.func @transform_6(%arg0: i32) -> (i32, i32) {
    %c0_i32 = arith.constant 0 : i32
    %c0_i32_0 = arith.constant 0 : i32
    return %arg0, %c0_i32 : i32, i32
  }
}

module attributes {stable_mosaic.version = 14 : i64} {
  func.func @_tc_mid_body(%arg0: i32, %arg1: memref<512x128xf32, #tpu.memory_space<vmem>>, %arg2: memref<512x128xf32, #tpu.memory_space<vmem>>, %arg3: memref<512x128xf32, #tpu.memory_space<vmem>>, %arg4: memref<512x1xf32, #tpu.memory_space<vmem>>, %arg5: memref<1x128xf32, #tpu.memory_space<vmem>>, %arg6: memref<128x128xf32, #tpu.memory_space<vmem>>, %arg7: memref<512x128xf32, #tpu.memory_space<vmem>>) attributes {dimension_semantics = [#tpu.dimension_semantics<arbitrary>], iteration_bounds = array<i64: 20>, scalar_prefetch = 0 : i64, scratch_operands = 0 : i64, tpu.core_type = #tpu.core_type<tc>, window_params = [{transform_indices = @transform_0, window_bounds = array<i64: 512, 128>}, {transform_indices = @transform_1, window_bounds = array<i64: 512, 128>}, {transform_indices = @transform_2, window_bounds = array<i64: 512, 128>}, {transform_indices = @transform_3, window_bounds = array<i64: 512, 1>}, {pipeline_mode = #tpu.pipeline_mode<synchronous>, transform_indices = @transform_4, window_bounds = array<i64: 1, 128>}, {pipeline_mode = #tpu.pipeline_mode<synchronous>, transform_indices = @transform_5, window_bounds = array<i64: 128, 128>}, {transform_indices = @transform_6, window_bounds = array<i64: 512, 128>}]} {
    %get3A = arith.constant 0 : index
    %get3A_0 = arith.constant 0 : index
    %get3A_1 = vector.load %arg1[%get3A, %get3A_0] : memref<512x128xf32, #tpu.memory_space<vmem>>, vector<512x128xf32>
    %get3A_2 = arith.constant 0 : index
    %get3A_3 = arith.constant 0 : index
    %get3A_4 = vector.load %arg2[%get3A_2, %get3A_3] : memref<512x128xf32, #tpu.memory_space<vmem>>, vector<512x128xf32>
    %add3A = arith.addf %get3A_1, %get3A_4 : vector<512x128xf32>
    %get3A_5 = arith.constant 0 : index
    %get3A_6 = arith.constant 0 : index
    %get3A_7 = vector.load %arg3[%get3A_5, %get3A_6] : memref<512x128xf32, #tpu.memory_space<vmem>>, vector<512x128xf32>
    %add3A_8 = arith.addf %add3A, %get3A_7 : vector<512x128xf32>
    %get3A_9 = arith.constant 0 : index
    %get3A_10 = arith.constant 0 : index
    %get3A_11 = vector.load %arg4[%get3A_9, %get3A_10] : memref<512x1xf32, #tpu.memory_space<vmem>>, vector<512x1xf32>
    %mul3A = vector.broadcast %get3A_11 : vector<512x1xf32> to vector<512x128xf32>
    %mul3A_12 = arith.mulf %add3A_8, %mul3A : vector<512x128xf32>
    %get3A_13 = arith.constant 0 : index
    %get3A_14 = arith.constant 0 : index
    %get3A_15 = vector.load %arg5[%get3A_13, %get3A_14] : memref<1x128xf32, #tpu.memory_space<vmem>>, vector<1x128xf32>
    %add3A_16 = vector.broadcast %get3A_15 : vector<1x128xf32> to vector<512x128xf32>
    %add3A_17 = arith.addf %mul3A_12, %add3A_16 : vector<512x128xf32>
    %max3A = arith.constant 0.000000e+00 : f32
    %max3A_18 = vector.broadcast %max3A : f32 to vector<512x128xf32>
    %max3A_19 = arith.maximumf %add3A_17, %max3A_18 : vector<512x128xf32>
    %get3A_20 = arith.constant 0 : index
    %get3A_21 = arith.constant 0 : index
    %get3A_22 = vector.load %arg6[%get3A_20, %get3A_21] : memref<128x128xf32, #tpu.memory_space<vmem>>, vector<128x128xf32>
    %dot_general3A = arith.constant dense<0.000000e+00> : vector<512x128xf32>
    %dot_general3A_23 = tpu.matmul %max3A_19, %get3A_22, %dot_general3A {dimension_numbers = #tpu.dot_dimension_numbers<[1], [0], [0], [1], [0, 0, 1, 1], [], []>, transpose_lhs_hint = false} : vector<512x128xf32>, vector<128x128xf32>, vector<512x128xf32> -> vector<512x128xf32>
    %get3A_24 = arith.constant 0 : index
    %get3A_25 = arith.constant 0 : index
    %get3A_26 = vector.load %arg4[%get3A_24, %get3A_25] : memref<512x1xf32, #tpu.memory_space<vmem>>, vector<512x1xf32>
    %mul3A_27 = vector.broadcast %get3A_26 : vector<512x1xf32> to vector<512x128xf32>
    %mul3A_28 = arith.mulf %dot_general3A_23, %mul3A_27 : vector<512x128xf32>
    %swap3A = arith.constant 0 : index
    %swap3A_29 = arith.constant 0 : index
    %swap3A_30 = vector.load %arg7[%swap3A, %swap3A_29] : memref<512x128xf32, #tpu.memory_space<vmem>>, vector<512x128xf32>
    tpu.vector_store %arg7[%swap3A, %swap3A_29], %mul3A_28 {strides = array<i32>} : memref<512x128xf32, #tpu.memory_space<vmem>>, vector<512x128xf32>,
    return
  }
  func.func @transform_0(%arg0: i32) -> (i32, i32) {
    %c0_i32 = arith.constant 0 : i32
    %c0_i32_0 = arith.constant 0 : i32
    return %arg0, %c0_i32 : i32, i32
  }
  func.func @transform_1(%arg0: i32) -> (i32, i32) {
    %c0_i32 = arith.constant 0 : i32
    %c0_i32_0 = arith.constant 0 : i32
    return %arg0, %c0_i32 : i32, i32
  }
  func.func @transform_2(%arg0: i32) -> (i32, i32) {
    %c0_i32 = arith.constant 0 : i32
    %c0_i32_0 = arith.constant 0 : i32
    return %arg0, %c0_i32 : i32, i32
  }
  func.func @transform_3(%arg0: i32) -> (i32, i32) {
    %c0_i32 = arith.constant 0 : i32
    %c0_i32_0 = arith.constant 0 : i32
    return %arg0, %c0_i32 : i32, i32
  }
  func.func @transform_4(%arg0: i32) -> (i32, i32) {
    %c0_i32 = arith.constant 0 : i32
    %c0_i32_0 = arith.constant 0 : i32
    %c0_i32_1 = arith.constant 0 : i32
    return %c0_i32, %c0_i32_0 : i32, i32
  }
  func.func @transform_5(%arg0: i32) -> (i32, i32) {
    %c0_i32 = arith.constant 0 : i32
    %c0_i32_0 = arith.constant 0 : i32
    %c0_i32_1 = arith.constant 0 : i32
    return %c0_i32, %c0_i32_0 : i32, i32
  }
  func.func @transform_6(%arg0: i32) -> (i32, i32) {
    %c0_i32 = arith.constant 0 : i32
    %c0_i32_0 = arith.constant 0 : i32
    return %arg0, %c0_i32 : i32, i32
  }
}

module attributes {stable_mosaic.version = 14 : i64} {
  func.func @_tc_final_body(%arg0: i32, %arg1: memref<512x128xf32, #tpu.memory_space<vmem>>, %arg2: memref<512x128xf32, #tpu.memory_space<vmem>>, %arg3: memref<512x128xf32, #tpu.memory_space<vmem>>, %arg4: memref<512x1xf32, #tpu.memory_space<vmem>>, %arg5: memref<1x128xf32, #tpu.memory_space<vmem>>, %arg6: memref<128x128xf32, #tpu.memory_space<vmem>>, %arg7: memref<1x128xf32, #tpu.memory_space<vmem>>, %arg8: memref<512x128xf32, #tpu.memory_space<vmem>>) attributes {dimension_semantics = [#tpu.dimension_semantics<arbitrary>], iteration_bounds = array<i64: 20>, scalar_prefetch = 0 : i64, scratch_operands = 0 : i64, tpu.core_type = #tpu.core_type<tc>, window_params = [{transform_indices = @transform_0, window_bounds = array<i64: 512, 128>}, {transform_indices = @transform_1, window_bounds = array<i64: 512, 128>}, {transform_indices = @transform_2, window_bounds = array<i64: 512, 128>}, {transform_indices = @transform_3, window_bounds = array<i64: 512, 1>}, {pipeline_mode = #tpu.pipeline_mode<synchronous>, transform_indices = @transform_4, window_bounds = array<i64: 1, 128>}, {pipeline_mode = #tpu.pipeline_mode<synchronous>, transform_indices = @transform_5, window_bounds = array<i64: 128, 128>}, {pipeline_mode = #tpu.pipeline_mode<synchronous>, transform_indices = @transform_6, window_bounds = array<i64: 1, 128>}, {transform_indices = @transform_7, window_bounds = array<i64: 512, 128>}]} {
    %get3A = arith.constant 0 : index
    %get3A_0 = arith.constant 0 : index
    %get3A_1 = vector.load %arg1[%get3A, %get3A_0] : memref<512x128xf32, #tpu.memory_space<vmem>>, vector<512x128xf32>
    %get3A_2 = arith.constant 0 : index
    %get3A_3 = arith.constant 0 : index
    %get3A_4 = vector.load %arg2[%get3A_2, %get3A_3] : memref<512x128xf32, #tpu.memory_space<vmem>>, vector<512x128xf32>
    %add3A = arith.addf %get3A_1, %get3A_4 : vector<512x128xf32>
    %get3A_5 = arith.constant 0 : index
    %get3A_6 = arith.constant 0 : index
    %get3A_7 = vector.load %arg3[%get3A_5, %get3A_6] : memref<512x128xf32, #tpu.memory_space<vmem>>, vector<512x128xf32>
    %add3A_8 = arith.addf %add3A, %get3A_7 : vector<512x128xf32>
    %get3A_9 = arith.constant 0 : index
    %get3A_10 = arith.constant 0 : index
    %get3A_11 = vector.load %arg4[%get3A_9, %get3A_10] : memref<512x1xf32, #tpu.memory_space<vmem>>, vector<512x1xf32>
    %mul3A = vector.broadcast %get3A_11 : vector<512x1xf32> to vector<512x128xf32>
    %mul3A_12 = arith.mulf %add3A_8, %mul3A : vector<512x128xf32>
    %get3A_13 = arith.constant 0 : index
    %get3A_14 = arith.constant 0 : index
    %get3A_15 = vector.load %arg5[%get3A_13, %get3A_14] : memref<1x128xf32, #tpu.memory_space<vmem>>, vector<1x128xf32>
    %add3A_16 = vector.broadcast %get3A_15 : vector<1x128xf32> to vector<512x128xf32>
    %add3A_17 = arith.addf %mul3A_12, %add3A_16 : vector<512x128xf32>
    %max3A = arith.constant 0.000000e+00 : f32
    %max3A_18 = vector.broadcast %max3A : f32 to vector<512x128xf32>
    %max3A_19 = arith.maximumf %add3A_17, %max3A_18 : vector<512x128xf32>
    %get3A_20 = arith.constant 0 : index
    %get3A_21 = arith.constant 0 : index
    %get3A_22 = vector.load %arg6[%get3A_20, %get3A_21] : memref<128x128xf32, #tpu.memory_space<vmem>>, vector<128x128xf32>
    %dot_general3A = arith.constant dense<0.000000e+00> : vector<512x128xf32>
    %dot_general3A_23 = tpu.matmul %max3A_19, %get3A_22, %dot_general3A {dimension_numbers = #tpu.dot_dimension_numbers<[1], [0], [0], [1], [0, 0, 1, 1], [], []>, transpose_lhs_hint = false} : vector<512x128xf32>, vector<128x128xf32>, vector<512x128xf32> -> vector<512x128xf32>
    %get3A_24 = arith.constant 0 : index
    %get3A_25 = arith.constant 0 : index
    %get3A_26 = vector.load %arg7[%get3A_24, %get3A_25] : memref<1x128xf32, #tpu.memory_space<vmem>>, vector<1x128xf32>
    %add3A_27 = vector.broadcast %get3A_26 : vector<1x128xf32> to vector<512x128xf32>
    %add3A_28 = arith.addf %dot_general3A_23, %add3A_27 : vector<512x128xf32>
    %swap3A = arith.constant 0 : index
    %swap3A_29 = arith.constant 0 : index
    %swap3A_30 = vector.load %arg8[%swap3A, %swap3A_29] : memref<512x128xf32, #tpu.memory_space<vmem>>, vector<512x128xf32>
    tpu.vector_store %arg8[%swap3A, %swap3A_29], %add3A_28 {strides = array<i32>} : memref<512x128xf32, #tpu.memory_space<vmem>>, vector<512x128xf32>,
    return
  }
  func.func @transform_0(%arg0: i32) -> (i32, i32) {
    %c0_i32 = arith.constant 0 : i32
    %c0_i32_0 = arith.constant 0 : i32
    return %arg0, %c0_i32 : i32, i32
  }
  func.func @transform_1(%arg0: i32) -> (i32, i32) {
    %c0_i32 = arith.constant 0 : i32
    %c0_i32_0 = arith.constant 0 : i32
    return %arg0, %c0_i32 : i32, i32
  }
  func.func @transform_2(%arg0: i32) -> (i32, i32) {
    %c0_i32 = arith.constant 0 : i32
    %c0_i32_0 = arith.constant 0 : i32
    return %arg0, %c0_i32 : i32, i32
  }
  func.func @transform_3(%arg0: i32) -> (i32, i32) {
    %c0_i32 = arith.constant 0 : i32
    %c0_i32_0 = arith.constant 0 : i32
    return %arg0, %c0_i32 : i32, i32
  }
  func.func @transform_4(%arg0: i32) -> (i32, i32) {
    %c0_i32 = arith.constant 0 : i32
    %c0_i32_0 = arith.constant 0 : i32
    %c0_i32_1 = arith.constant 0 : i32
    return %c0_i32, %c0_i32_0 : i32, i32
  }
  func.func @transform_5(%arg0: i32) -> (i32, i32) {
    %c0_i32 = arith.constant 0 : i32
    %c0_i32_0 = arith.constant 0 : i32
    %c0_i32_1 = arith.constant 0 : i32
    return %c0_i32, %c0_i32_0 : i32, i32
  }
  func.func @transform_6(%arg0: i32) -> (i32, i32) {
    %c0_i32 = arith.constant 0 : i32
    %c0_i32_0 = arith.constant 0 : i32
    %c0_i32_1 = arith.constant 0 : i32
    return %c0_i32, %c0_i32_0 : i32, i32
  }
  func.func @transform_7(%arg0: i32) -> (i32, i32) {
    %c0_i32 = arith.constant 0 : i32
    %c0_i32_0 = arith.constant 0 : i32
    return %arg0, %c0_i32 : i32, i32
  }
}

</mosaic_0001>

<sc_bundles>
// kernel: kernel.10.cloned.1.call-start
scs
__scs_entry_jumppad:
0x0: {  	(pc) =	sbr.rel $0x88, $3  }
0x1: {  	(tag) =	ssettag $0x0;
	lr =	simm.s32 $0x1  }
0x2: {  	[smem:$0x3F97] =	sst lr;
	_ =	strace $0xD0000000  }
0x3: {  	_ = 	snop  }
0x4: {  	_ = 	snop  }
0x5: {  	_ = 	snop  }
0x6: {  	_ = 	snop  }
0x7: {  	_ = 	snop  }
__scs_overlays_trampoline_lowered:
0x8: {  	[smem:$0x3FA6] =	sst s0  }
0x9: {  	[smem:$0x3FA7] =	sst s1  }
0xa: {  	[smem:$0x3FA8] =	sst s2  }
0xb: {  	[smem:$0x3FA9] =	sst s3  }
0xc: {  	[smem:$0x3FAA] =	sst s4  }
0xd: {  	[smem:$0x3FAB] =	sst s5  }
0xe: {  	[smem:$0x3FAC] =	sst s6  }
0xf: {  	[smem:$0x3FAD] =	sst s7  }
0x10: {  	[smem:$0x3FAE] =	sst s8  }
0x11: {  	[smem:$0x3FAF] =	sst s9;
	s0 =	simm.s32 @!p0 $0x0  }
0x12: {  	s1 =	sld [smem:$0x3F95];
	s0 =	simm.s32 @p0 $0x1  }
0x13: {  	[smem:$0x3FB0] =	sst s0;
	s0 =	simm.s32 @!p1 $0x0  }
0x14: {  	s2 =	sld [smem:$0x3F94];
	s0 =	simm.s32 @p1 $0x1  }
0x15: {  	[smem:$0x3FB1] =	sst s0;
	s0 =	simm.s32 @!p2 $0x0  }
0x16: {  	s3 =	sld [smem:$0x3FDB];
	s0 =	simm.s32 @p2 $0x1  }
0x17: {  	s4 =	simm.s32 $0x1BF5;
	[smem:$0x3FB3] =	sst s0  }
0x18: {  	s0 =	sld [smem:$0x3F96];
	_ =	swait.ge [sflag:s4], $0x0  }
0x19: {  	s7 =	sld [smem:$0x3F97]  }
0x1a: {  	s8 =	sadd.s32 $0xFFFFE003, lr  }
0x1b: {  	s9 =	sadd.s32 $0xFFFFFEF7, lr;
	s5 =	simm.s32 $0xFFFFFFFF;
	p2 =	slt.u32 s8, $0xFFFFF086  }
0x1c: {  	p1 =	slt.u32 s9, $0xF7A;
	s5 =	simm.s32 @!p2 $0x0  }
0x1d: {  	s5 =	simm.s32 @p1 $0x1;
	p0 =	seq.s32 s7, s2  }
0x1e: {  	s7 =	smul.u32 @!p0 $0xF7A, s2;
	p2 =	seq.s32 @!p0 s5, $0x0  }
0x1f: {  	s9 =	smul.u32 $0xF7A, s1;
	s8 =	simm.s32 @!p0 $0x1BF5;
	p2 =	por !p2, p0  }
0x20: {  	[sflag:s8] =	ssyncset.s32 @!p0 $0xFFFFF086;
	s6 =	sadd.s32 @!p0 s3, s7;
	s7 =	simm.s32 @!p0 $0x108  }
0x21: {  	s3 =	sadd.s32 s3, s9;
	s6 =	sadd.s32 @!p0 $0x88, s6;
	s7 =	simm.s32 @p2 $0x1082  }
0x22: {  	[simem:s7], [sflag:s8] =	dma.local @!p0 [hbm:s6], $0xF7A  }
0x23: {  	s9 =	sor.u32 $0xD0000000, s2;
	s6 =	simm.s32 $0x108;
	_ =	swait.ge @!p0 [sflag:s8], $0x0  }
0x24: {  	s3 =	sadd.s32 $0x88, s3;
	s6 =	simm.s32 @!p1 $0x1082;
	[sflag:s4] =	ssyncset.s32 $0xFFFFF086  }
0x25: {  	[simem:s6], [sflag:s4] =	dma.local [hbm:s3], $0xF7A  }
0x26: {  	[smem:$0x3F97] =	sst s1;
	(tag) =	ssettag s2;
	_ =	strace s9  }
0x27: {  	s1 =	sld [smem:$0x3FA7]  }
0x28: {  	s2 =	sld [smem:$0x3FA8]  }
0x29: {  	s4 =	sld [smem:$0x3FAA]  }
0x2a: {  	p0 =	seq.s32 s5, $0x0;
	s5 =	sld [smem:$0x3FAB]  }
0x2b: {  	s6 =	sld [smem:$0x3FAC]  }
0x2c: {  	s7 =	sld [smem:$0x3FAD]  }
0x2d: {  	s3 =	simm.s32 $0x108;
	s8 =	sld [smem:$0x3FAE]  }
0x2e: {  	s3 =	simm.s32 @!p0 $0x1082;
	s9 =	sld [smem:$0x3FAF]  }
0x2f: {  	lr =	sadd.s32 s0, s3;
	s0 =	sld [smem:$0x3FA6]  }
0x30: {  	s3 =	sld [smem:$0x3FA9]  }
0x31: {  	[smem:$0x3FB2] =	sst s10  }
0x32: {  	s10 =	sld [smem:$0x3FB0];
	_ =	sdelay $0x3  }
0x33: {  	p0 =	seq.s32 s10, $0x1;
	s10 =	sld [smem:$0x3FB2];
	_ =	sdelay $0x3  }
0x34: {  	[smem:$0x3FB2] =	sst s10  }
0x35: {  	s10 =	sld [smem:$0x3FB1];
	_ =	sdelay $0x3  }
0x36: {  	p1 =	seq.s32 s10, $0x1;
	s10 =	sld [smem:$0x3FB2];
	_ =	sdelay $0x3  }
0x37: {  	[smem:$0x3FB2] =	sst s10  }
0x38: {  	s10 =	sld [smem:$0x3FB3]  }
0x39: {  	_ = 	snop;
	(pc) =	sbr.ind lr, $3  }
0x3a: {  	_ = 	snop  }
0x3b: {  	_ = 	snop  }
0x3c: {  	p2 =	seq.s32 s10, $0x1;
	s10 =	sld [smem:$0x3FB2]  }
0x3d: {  	_ =	shalt  }
0x3e: {  	_ =	shalt  }
0x3f: {  	_ =	shalt  }
0x40: {  	_ =	shalt  }
0x41: {  	_ =	shalt  }
0x42: {  	_ =	shalt  }
0x43: {  	_ =	shalt  }
0x44: {  	_ =	shalt  }
0x45: {  	_ =	shalt  }
0x46: {  	_ =	shalt  }
0x47: {  	_ =	shalt  }
0x48: {  	_ =	shalt  }
0x49: {  	_ =	shalt  }
0x4a: {  	_ =	shalt  }
0x4b: {  	_ =	shalt  }
0x4c: {  	_ =	shalt  }
0x4d: {  	_ =	shalt  }
0x4e: {  	_ =	shalt  }
0x4f: {  	_ =	shalt  }
0x50: {  	_ =	shalt  }
0x51: {  	_ =	shalt  }
0x52: {  	_ =	shalt  }
0x53: {  	_ =	shalt  }
0x54: {  	_ =	shalt  }
0x55: {  	_ =	shalt  }
0x56: {  	_ =	shalt  }
0x57: {  	_ =	shalt  }
0x58: {  	_ =	shalt  }
0x59: {  	_ =	shalt  }
0x5a: {  	_ =	shalt  }
0x5b: {  	_ =	shalt  }
0x5c: {  	_ =	shalt  }
0x5d: {  	_ =	shalt  }
0x5e: {  	_ =	shalt  }
0x5f: {  	_ =	shalt  }
0x60: {  	_ =	shalt  }
0x61: {  	_ =	shalt  }
0x62: {  	_ =	shalt  }
0x63: {  	_ =	shalt  }
0x64: {  	_ =	shalt  }
0x65: {  	_ =	shalt  }
0x66: {  	_ =	shalt  }
0x67: {  	_ =	shalt  }
0x68: {  	_ =	shalt  }
0x69: {  	_ =	shalt  }
0x6a: {  	_ =	shalt  }
0x6b: {  	_ =	shalt  }
0x6c: {  	_ =	shalt  }
0x6d: {  	_ =	shalt  }
0x6e: {  	_ =	shalt  }
0x6f: {  	_ =	shalt  }
0x70: {  	_ =	shalt  }
0x71: {  	_ =	shalt  }
0x72: {  	_ =	shalt  }
0x73: {  	_ =	shalt  }
0x74: {  	_ =	shalt  }
0x75: {  	_ =	shalt  }
0x76: {  	_ =	shalt  }
0x77: {  	_ =	shalt  }
0x78: {  	_ =	shalt  }
0x79: {  	_ =	shalt  }
0x7a: {  	_ =	shalt  }
0x7b: {  	_ =	shalt  }
0x7c: {  	_ =	shalt  }
0x7d: {  	_ =	shalt  }
0x7e: {  	_ =	shalt  }
0x7f: {  	_ =	shalt  }
0x80: {  	_ =	shalt  }
0x81: {  	_ =	shalt  }
0x82: {  	_ =	shalt  }
0x83: {  	_ =	shalt  }
0x84: {  	_ =	shalt  }
0x85: {  	_ =	shalt  }
0x86: {  	_ =	shalt  }
0x87: {  	_ =	shalt  }
.Lfunc_end0:
.L_simem_size_0:
called_computation_lowered:
.L_overlay_start_0:
0x88: {  	s2 =	sld [smem:$0x3FD9]  }
0x89: {  	s3 =	sld [smem:$0x3FFE];
	_ =	sdelay $0x1  }
0x8a: {  	s1 =	srdreg.scid  }
0x8b: {  	s0 =	sand.u32 $0x1, s1  }
0x8c: {  	s17 =	sshll.u32 s0, $0xA;
	s2 =	sadd.s32 s3, s2  }
0x8d: {  	s2 =	sadd.s32 s2, s17  }
0x8e: {  	[smem:$0x3FBE] =	sst s2  }
0x8f: {  	_ = 	snop  }
0x90: {  	s2 =	sld [smem:$0x3FD0];
	(tm) =	ssettm $0x1  }
0x91: {  	s18 =	sld [smem:$0x3FFB];
	_ =	sdelay $0x3  }
0x92: {  	_ =	strace s18  }
0x93: {  	s3 =	sld [smem:$0x3FFC];
	_ =	sdelay $0x3  }
0x94: {  	_ =	strace s3  }
0x95: {  	s3 =	sld [smem:$0x3FFD];
	_ =	sdelay $0x3  }
0x96: {  	_ =	strace s3  }
0x97: {  	_ =	strace $0x8FFFFFFF  }
0x98: {  	s19 =	sld [smem:$0x3FDB];
	_ =	sdelay $0x1  }
0x99: {  	s4 =	simm.s32 $_scs_section_size  }
0x9a: {  	s5 =	simm.s32 $_size__tile_overlayer_lowered;
	s6 =	simm.s32 $_tile_overlayer_lowered  }
0x9b: {  	s22 =	simm.s32 $0x1BFF;
	s21 =	sshll.u32 s6, $0x1;
	s3 =	sadd.s32 s4, s19  }
0x9c: {  	s7 =	simm.s32 $0x0;
	s20 =	sshll.u32 s5, $0x1;
	s5 =	sadd.s32 s21, s3  }
0x9d: {  	[timem:s7], [sflag:s22] =	dma.local [hbm:s5], s20  }
0x9e: {  	_ =	swait.ge [sflag:s22], s20  }
0x9f: {  	s4 =	ssub.s32 $0x0, s20;
	[sflag:s22] =	ssyncset.done $0x0  }
0xa0: {  	[sflag:s22] =	ssyncadd.s32 s4;
	_ =	sdelay $0x1  }
0xa1: {  	s23 =	simm.s32 $0x1B8B  }
0xa2: {  	_ =	swait.ge [sflag:s23], $0x1  }
0xa3: {  	[sflag:s23] =	ssyncset.done $0x0  }
0xa4: {  	s25 =	simm.s32 $0x1B8E;
	s24 =	sld [smem:$0x3FFE];
	[sflag:s23] =	ssyncadd.s32 $0xFFFFFFFF  }
0xa5: {  	s26 =	simm.s32 $execute0_lowered;
	[smem:$0x3FD2] =	sst s25  }
0xa6: {  	s5 =	sshll.u32 s26, $0x1;
	_ =	strace $0x80000046;
	[dreg:$0x1] =	wrdreg $0xFFFFFFFF  }
0xa7: {  	s28 =	simm.s32 $_size_execute0_lowered;
	s3 =	sadd.s32 s3, s5;
	[dreg:$0x0] =	wrdreg $0x0  }
0xa8: {  	s5 =	sshll.u32 s28, $0x1;
	[dreg:$0x2] =	wrdreg s3  }
0xa9: {  	[dreg:$0x3] =	wrdreg s5  }
0xaa: {  	[dreg:$0x4] =	wrdreg $0xC0  }
0xab: {  	_ =	task [dreg:s7], $0x5FFFF  }
0xac: {  	[dreg:$0x1] =	wrdreg $0xFFFFFFFF  }
0xad: {  	[dreg:$0x0] =	wrdreg $0x60  }
0xae: {  	[dreg:$0x2] =	wrdreg s24  }
0xaf: {  	[dreg:$0x3] =	wrdreg s2  }
0xb0: {  	[dreg:$0x4] =	wrdreg $0x68000  }
0xb1: {  	[dreg:$0x5] =	wrdreg $0x9  }
0xb2: {  	_ =	task.clear_ibuf [dreg:s7], $0x6FFFF;
	_ =	strace $0x90000046  }
0xb3: {  	s29 =	simm.s32 $0x9;
	_ =	strace $0x80000048  }
0xb4: {  	_ =	swait.ge [sflag:s29], $0x1  }
0xb5: {  	[sflag:s29] =	ssyncadd.s32 $0xFFFFFFFF  }
0xb6: {  	_ =	strace $0x90000048  }
0xb7: {  	_ =	sfence  }
0xb8: {  	s30 =	sld [smem:$0x0];
	_ =	sdelay $0x2  }
0xb9: {  	s31 =	sshll.u32 s1, $0xD;
	s1 =	sshrl.u32 s1, $0x2  }
0xba: {  	s3 =	sand.u32 $0x4000, s31;
	s1 =	sadd.s32 s1, s30  }
0xbb: {  	s0 =	sor.u32 s3, s0;
	s1 =	sshll.u32 s1, $0x11  }
0xbc: {  	s0 =	sor.u32 s1, s0  }
0xbd: {  	s0 =	sadd.s32 $0x8F2B, s0  }
0xbe: {  	[sflag:s0] =	ssyncadd.remote.s32 $0x1  }
0xbf: {  	_ =	sfence.sel $0xFFFF  }
0xc0: {  	[dreg:$0x0] =	wrdreg $0xFFFFFFFF;
	(pc) =	sbr.abs _section_cstart, $3  }
0xc1: {  	[dreg:$0x1] =	wrdreg $0xFFFFFFFF  }
0xc2: {  	_ =	task.clear_ibuf [dreg:s7], $0x2FFFF;
	_ =	strace $0x9FFFFFFF  }
0xc3: {  	(tm) =	ssettm $0x7FFFFFFF  }
tec
execute0_lowered:
.L_overlay_start_1:
0x0: {  	(tag) =	ssettag $0x1  }
0x1: {  	s6 =	rddreg [dreg:$0x0]  }
0x2: {  	s0 =	stileid.u32;
	s2 =	rddreg [dreg:$0x1]  }
0x3: {  	s1 =	srdreg.scid;
	s3 =	rddreg [dreg:$0x2];
	s4 =	simm.s32 $0x0  }
0x4: {  	s14 =	simm.s32 $0x80;
	s15 =	simm.s32 $0x0;
	s5 =	smul.u32 $0x500, s0  }
0x5: {  	s7 =	sand.u32 $0x1, s1;
	s1 =	rddreg [dreg:$0x3];
	s9 =	smul.u32 $0x14000, s0  }
0x6: {  	[smem:$0x7FF] =	sst s4;
	s11 =	smul.u32 $0x50000, s0;
	s31 =	sshll.u32 s0, $0x6  }
0x7: {  	s8 =	smul.u32 $0x140000, s7;
	_ =	strace $0x80000047;
	s29 =	ssub.s32 $0x2, s7  }
0x8: {  	s12 =	smul.u32 $0x5000, s7;
	s10 =	sadd.s32 s5, s6;
	s5 =	sadd.s32 $0x9800, s6  }
0x9: {  	s30 =	sshrl.u32 s29, $0x1;
	s11 =	sshrl.u32 s11, $0x2;
	s28 =	sadd.s32 s9, s8  }
0xa: {  	s9 =	ssub.s32 s29, s30;
	s13 =	sadd.s32 s11, s3;
	s8 =	sshrl.u32 s28, $0x3  }
0xb: {  	s11 =	simm.s32 $0x2800;
	s13 =	sshrl.u32 s13, $0x3;
	s8 =	sadd.s32 s8, s6  }
0xc: {  	s6 =	sadd.s32 $0x4800, s10;
	s10 =	simm.s32 $0x1;
	s7 =	sadd.s32 $0xC000, s8  }
0xd: {  	s8 =	smax.u32 s9, $0x1;
	s9 =	sshrl.u32 s12, $0x2;
	s12 =	sor.u32 $0x1C01, s31  }
.LBB2_1:
0xe: {  	[tilespmem:s4], [sflag:$0x1] =	stream.linear.gather [hbm4b:s6+s4], $0x2800, $0x38;
	[tilespmem:$0x1A800] =	vst v63  }
0xf: {  	_ =	swait.ge [sflag:s10], $0x2800  }
0x10: {  	[sflag:s10] =	ssyncset.done $0x0  }
0x11: {  	[sflag:s10] =	ssyncadd.s32 $0xFFFFD800  }
0x12: {  	[tilespmem:s11], [sflag:$0x1] =	stream.linear.gather [hbm4b:s2+s4], $0x4000, $0x38;
	[tilespmem:$0x1A800] =	vst v63  }
0x13: {  	_ =	swait.ge [sflag:s10], $0x4000  }
0x14: {  	[sflag:s10] =	ssyncset.done $0x0  }
0x15: {  	[sflag:s10] =	ssyncadd.s32 $0xFFFFC000  }
0x16: {  	[spmem:s13], [sflag:s12] =	dma.local [hbm:s5], $0x2800  }
0x17: {  	_ =	swait.ge [sflag:s10], $0x2800  }
0x18: {  	[sflag:s10] =	ssyncset.done $0x0  }
0x19: {  	[sflag:s10] =	ssyncadd.s32 $0xFFFFD800  }
0x1a: {  	s16 =	sadd.s32 $0x0, s9;
	[bflag:$0x0] =	sbarrier.arrive $0xFFFF  }
0x1b: {  	[spmem:s3] =	stream.indirect.scatter.add.f32 [tilespmem:s11], [sflag:$0x1], $0x80, s16, s14, $0xb8;
	[tilespmem:$0x1A800] =	vst v63  }
0x1c: {  	s16 =	simm.s32 $0x200;
	_ =	swait.ge [sflag:s10], $0x4000  }
.LBB2_2:
0x1d: {  	s17 =	sshra.s32 s16, $0x2;
	[sflag:s10] =	ssyncset.done $0x0;
	p0 =	sne.s32 s16, $0x4E00  }
.Ltmp0:
0x1e: {  	s17 =	sadd.s32 s17, s9;
	[sflag:s10] =	ssyncadd.s32 $0xFFFFC000;
	(pc) =	sbr.rel @p0 .LBB2_2-.Ltmp0, $3  }
0x1f: {  	[spmem:s3] =	stream.indirect.scatter.add.f32 [tilespmem:s11], [sflag:$0x1], $0x80, s17, s14, $0xb8;
	[tilespmem:$0x1A800] =	vst v63  }
0x20: {  	s16 =	sadd.s32 $0x200, s16;
	_ =	sdelay $0x1  }
0x21: {  	_ =	swait.ge [sflag:s10], $0x4000  }
0x22: {  	[sflag:s10] =	ssyncset.done $0x0;
	s15 =	sadd.s32 $0x1, s15  }
0x23: {  	[sflag:s10] =	ssyncadd.s32 $0xFFFFC000;
	p0 =	sne.s32 s15, s8  }
.Ltmp1:
0x24: {  	[bflag:$0x0] =	sbarrier.arrive $0xFFFF;
	(pc) =	sbr.rel @p0 .LBB2_1-.Ltmp1, $4  }
0x25: {  	[hbm:s7], [sflag:s12] =	dma.local [spmem:s13], $0x2800  }
0x26: {  	_ =	swait.ge [sflag:s10], $0x2800  }
0x27: {  	[sflag:s10] =	ssyncset.done $0x0  }
0x28: {  	[sflag:s10] =	ssyncadd.s32 $0xFFFFD800  }
0x29: {  	_ =	sfence.sel $0x180000  }
0x2a: {  	[bflag:$0x0] =	sbarrier.arrive $0xFFFF  }
0x2b: {  	p0 =	sne.s32 s0, $0x0;
	_ =	strace $0x90000047  }
0x2c: {  	s0 =	sadd.s32 @!p0 $0x100000, s1;
	[bflag:$0x2] =	sbarrier.arrive $0xFFFF  }
0x2d: {  	[sflag:s0] =	ssyncadd.tile.s32 @!p0 $0x1;
	_ =	shalt  }
.Lfunc_end2:
_tile_overlayer_lowered:
.L_overlay_start_2:
0x2e: {  	(tag) =	ssettag $0x2  }
0x2f: {  	s0 =	rddreg [dreg:$0x0];
	s2 =	stileid.u32  }
0x30: {  	s1 =	rddreg [dreg:$0x1];
	p0 =	sne.s32 s2, $0x0  }
0x31: {  	s3 =	rddreg [dreg:$0x2];
	[bflag:$0x3] =	sbarrier.arrive $0xFFFF;
	s2 =	simm.s32 @!p0 $0x1C01  }
0x32: {  	[timem:s3], [sflag:s2] =	dma.local @!p0 [hbm:s0], s1  }
0x33: {  	s0 =	simm.s32 @!p0 $0x1  }
0x34: {  	_ =	swait.ge @!p0 [sflag:s0], s1  }
0x35: {  	s1 =	ssub.s32 @!p0 $0x0, s1;
	[sflag:s0] =	ssyncset.done @!p0 $0x0  }
0x36: {  	[sflag:s0] =	ssyncadd.s32 @!p0 s1  }
0x37: {  	[bflag:$0x3] =	sbarrier.arrive $0xFFFF  }
0x38: {  	_ =	shalt  }

// kernel: kernel.13.cloned.1.call-start
scs
__scs_entry_jumppad:
0x0: {  	(pc) =	sbr.rel $0x88, $3  }
0x1: {  	(tag) =	ssettag $0x0;
	lr =	simm.s32 $0x1  }
0x2: {  	[smem:$0x3F97] =	sst lr;
	_ =	strace $0xD0000000  }
0x3: {  	_ = 	snop  }
0x4: {  	_ = 	snop  }
0x5: {  	_ = 	snop  }
0x6: {  	_ = 	snop  }
0x7: {  	_ = 	snop  }
__scs_overlays_trampoline_lowered:
0x8: {  	[smem:$0x3FA6] =	sst s0  }
0x9: {  	[smem:$0x3FA7] =	sst s1  }
0xa: {  	[smem:$0x3FA8] =	sst s2  }
0xb: {  	[smem:$0x3FA9] =	sst s3  }
0xc: {  	[smem:$0x3FAA] =	sst s4  }
0xd: {  	[smem:$0x3FAB] =	sst s5  }
0xe: {  	[smem:$0x3FAC] =	sst s6  }
0xf: {  	[smem:$0x3FAD] =	sst s7  }
0x10: {  	[smem:$0x3FAE] =	sst s8  }
0x11: {  	[smem:$0x3FAF] =	sst s9;
	s0 =	simm.s32 @!p0 $0x0  }
0x12: {  	s1 =	sld [smem:$0x3F95];
	s0 =	simm.s32 @p0 $0x1  }
0x13: {  	[smem:$0x3FB0] =	sst s0;
	s0 =	simm.s32 @!p1 $0x0  }
0x14: {  	s2 =	sld [smem:$0x3F94];
	s0 =	simm.s32 @p1 $0x1  }
0x15: {  	[smem:$0x3FB1] =	sst s0;
	s0 =	simm.s32 @!p2 $0x0  }
0x16: {  	s3 =	sld [smem:$0x3FDB];
	s0 =	simm.s32 @p2 $0x1  }
0x17: {  	s4 =	simm.s32 $0x1BF5;
	[smem:$0x3FB3] =	sst s0  }
0x18: {  	s0 =	sld [smem:$0x3F96];
	_ =	swait.ge [sflag:s4], $0x0  }
0x19: {  	s7 =	sld [smem:$0x3F97]  }
0x1a: {  	s8 =	sadd.s32 $0xFFFFE003, lr  }
0x1b: {  	s9 =	sadd.s32 $0xFFFFFEF7, lr;
	s5 =	simm.s32 $0xFFFFFFFF;
	p2 =	slt.u32 s8, $0xFFFFF086  }
0x1c: {  	p1 =	slt.u32 s9, $0xF7A;
	s5 =	simm.s32 @!p2 $0x0  }
0x1d: {  	s5 =	simm.s32 @p1 $0x1;
	p0 =	seq.s32 s7, s2  }
0x1e: {  	s7 =	smul.u32 @!p0 $0xF7A, s2;
	p2 =	seq.s32 @!p0 s5, $0x0  }
0x1f: {  	s9 =	smul.u32 $0xF7A, s1;
	s8 =	simm.s32 @!p0 $0x1BF5;
	p2 =	por !p2, p0  }
0x20: {  	[sflag:s8] =	ssyncset.s32 @!p0 $0xFFFFF086;
	s6 =	sadd.s32 @!p0 s3, s7;
	s7 =	simm.s32 @!p0 $0x108  }
0x21: {  	s3 =	sadd.s32 s3, s9;
	s6 =	sadd.s32 @!p0 $0x88, s6;
	s7 =	simm.s32 @p2 $0x1082  }
0x22: {  	[simem:s7], [sflag:s8] =	dma.local @!p0 [hbm:s6], $0xF7A  }
0x23: {  	s9 =	sor.u32 $0xD0000000, s2;
	s6 =	simm.s32 $0x108;
	_ =	swait.ge @!p0 [sflag:s8], $0x0  }
0x24: {  	s3 =	sadd.s32 $0x88, s3;
	s6 =	simm.s32 @!p1 $0x1082;
	[sflag:s4] =	ssyncset.s32 $0xFFFFF086  }
0x25: {  	[simem:s6], [sflag:s4] =	dma.local [hbm:s3], $0xF7A  }
0x26: {  	[smem:$0x3F97] =	sst s1;
	(tag) =	ssettag s2;
	_ =	strace s9  }
0x27: {  	s1 =	sld [smem:$0x3FA7]  }
0x28: {  	s2 =	sld [smem:$0x3FA8]  }
0x29: {  	s4 =	sld [smem:$0x3FAA]  }
0x2a: {  	p0 =	seq.s32 s5, $0x0;
	s5 =	sld [smem:$0x3FAB]  }
0x2b: {  	s6 =	sld [smem:$0x3FAC]  }
0x2c: {  	s7 =	sld [smem:$0x3FAD]  }
0x2d: {  	s3 =	simm.s32 $0x108;
	s8 =	sld [smem:$0x3FAE]  }
0x2e: {  	s3 =	simm.s32 @!p0 $0x1082;
	s9 =	sld [smem:$0x3FAF]  }
0x2f: {  	lr =	sadd.s32 s0, s3;
	s0 =	sld [smem:$0x3FA6]  }
0x30: {  	s3 =	sld [smem:$0x3FA9]  }
0x31: {  	[smem:$0x3FB2] =	sst s10  }
0x32: {  	s10 =	sld [smem:$0x3FB0];
	_ =	sdelay $0x3  }
0x33: {  	p0 =	seq.s32 s10, $0x1;
	s10 =	sld [smem:$0x3FB2];
	_ =	sdelay $0x3  }
0x34: {  	[smem:$0x3FB2] =	sst s10  }
0x35: {  	s10 =	sld [smem:$0x3FB1];
	_ =	sdelay $0x3  }
0x36: {  	p1 =	seq.s32 s10, $0x1;
	s10 =	sld [smem:$0x3FB2];
	_ =	sdelay $0x3  }
0x37: {  	[smem:$0x3FB2] =	sst s10  }
0x38: {  	s10 =	sld [smem:$0x3FB3]  }
0x39: {  	_ = 	snop;
	(pc) =	sbr.ind lr, $3  }
0x3a: {  	_ = 	snop  }
0x3b: {  	_ = 	snop  }
0x3c: {  	p2 =	seq.s32 s10, $0x1;
	s10 =	sld [smem:$0x3FB2]  }
0x3d: {  	_ =	shalt  }
0x3e: {  	_ =	shalt  }
0x3f: {  	_ =	shalt  }
0x40: {  	_ =	shalt  }
0x41: {  	_ =	shalt  }
0x42: {  	_ =	shalt  }
0x43: {  	_ =	shalt  }
0x44: {  	_ =	shalt  }
0x45: {  	_ =	shalt  }
0x46: {  	_ =	shalt  }
0x47: {  	_ =	shalt  }
0x48: {  	_ =	shalt  }
0x49: {  	_ =	shalt  }
0x4a: {  	_ =	shalt  }
0x4b: {  	_ =	shalt  }
0x4c: {  	_ =	shalt  }
0x4d: {  	_ =	shalt  }
0x4e: {  	_ =	shalt  }
0x4f: {  	_ =	shalt  }
0x50: {  	_ =	shalt  }
0x51: {  	_ =	shalt  }
0x52: {  	_ =	shalt  }
0x53: {  	_ =	shalt  }
0x54: {  	_ =	shalt  }
0x55: {  	_ =	shalt  }
0x56: {  	_ =	shalt  }
0x57: {  	_ =	shalt  }
0x58: {  	_ =	shalt  }
0x59: {  	_ =	shalt  }
0x5a: {  	_ =	shalt  }
0x5b: {  	_ =	shalt  }
0x5c: {  	_ =	shalt  }
0x5d: {  	_ =	shalt  }
0x5e: {  	_ =	shalt  }
0x5f: {  	_ =	shalt  }
0x60: {  	_ =	shalt  }
0x61: {  	_ =	shalt  }
0x62: {  	_ =	shalt  }
0x63: {  	_ =	shalt  }
0x64: {  	_ =	shalt  }
0x65: {  	_ =	shalt  }
0x66: {  	_ =	shalt  }
0x67: {  	_ =	shalt  }
0x68: {  	_ =	shalt  }
0x69: {  	_ =	shalt  }
0x6a: {  	_ =	shalt  }
0x6b: {  	_ =	shalt  }
0x6c: {  	_ =	shalt  }
0x6d: {  	_ =	shalt  }
0x6e: {  	_ =	shalt  }
0x6f: {  	_ =	shalt  }
0x70: {  	_ =	shalt  }
0x71: {  	_ =	shalt  }
0x72: {  	_ =	shalt  }
0x73: {  	_ =	shalt  }
0x74: {  	_ =	shalt  }
0x75: {  	_ =	shalt  }
0x76: {  	_ =	shalt  }
0x77: {  	_ =	shalt  }
0x78: {  	_ =	shalt  }
0x79: {  	_ =	shalt  }
0x7a: {  	_ =	shalt  }
0x7b: {  	_ =	shalt  }
0x7c: {  	_ =	shalt  }
0x7d: {  	_ =	shalt  }
0x7e: {  	_ =	shalt  }
0x7f: {  	_ =	shalt  }
0x80: {  	_ =	shalt  }
0x81: {  	_ =	shalt  }
0x82: {  	_ =	shalt  }
0x83: {  	_ =	shalt  }
0x84: {  	_ =	shalt  }
0x85: {  	_ =	shalt  }
0x86: {  	_ =	shalt  }
0x87: {  	_ =	shalt  }
.Lfunc_end0:
.L_simem_size_0:
called_computation.1_lowered:
.L_overlay_start_0:
0x88: {  	s2 =	sld [smem:$0x3FD9]  }
0x89: {  	s3 =	sld [smem:$0x3FFE];
	_ =	sdelay $0x1  }
0x8a: {  	s1 =	srdreg.scid  }
0x8b: {  	s0 =	sand.u32 $0x1, s1  }
0x8c: {  	s16 =	sshll.u32 s0, $0xA;
	s2 =	sadd.s32 s3, s2  }
0x8d: {  	s2 =	sadd.s32 s2, s16  }
0x8e: {  	[smem:$0x3FBE] =	sst s2  }
0x8f: {  	_ = 	snop  }
0x90: {  	(tm) =	ssettm $0x1  }
0x91: {  	s17 =	sld [smem:$0x3FFB];
	_ =	sdelay $0x3  }
0x92: {  	_ =	strace s17  }
0x93: {  	s2 =	sld [smem:$0x3FFC];
	_ =	sdelay $0x3  }
0x94: {  	_ =	strace s2  }
0x95: {  	s2 =	sld [smem:$0x3FFD];
	_ =	sdelay $0x3  }
0x96: {  	_ =	strace s2  }
0x97: {  	_ =	strace $0x8FFFFFFF  }
0x98: {  	s18 =	sld [smem:$0x3FDB];
	_ =	sdelay $0x1  }
0x99: {  	s19 =	simm.s32 $_scs_section_size  }
0x9a: {  	s4 =	simm.s32 $_size__tile_overlayer_lowered;
	s5 =	simm.s32 $_tile_overlayer_lowered  }
0x9b: {  	s22 =	simm.s32 $0x1BFF;
	s21 =	sshll.u32 s5, $0x1;
	s2 =	sadd.s32 s19, s18  }
0x9c: {  	s6 =	simm.s32 $0x0;
	s20 =	sshll.u32 s4, $0x1;
	s4 =	sadd.s32 s21, s2  }
0x9d: {  	[timem:s6], [sflag:s22] =	dma.local [hbm:s4], s20  }
0x9e: {  	_ =	swait.ge [sflag:s22], s20  }
0x9f: {  	s3 =	ssub.s32 $0x0, s20;
	[sflag:s22] =	ssyncset.done $0x0  }
0xa0: {  	[sflag:s22] =	ssyncadd.s32 s3;
	_ =	sdelay $0x1  }
0xa1: {  	s23 =	simm.s32 $0x1B8B  }
0xa2: {  	_ =	swait.ge [sflag:s23], $0x1  }
0xa3: {  	[sflag:s23] =	ssyncset.done $0x0  }
0xa4: {  	s25 =	simm.s32 $0x1B8E;
	s24 =	sld [smem:$0x3FFE];
	[sflag:s23] =	ssyncadd.s32 $0xFFFFFFFF  }
0xa5: {  	s26 =	simm.s32 $execute0_lowered;
	[smem:$0x3FD2] =	sst s25  }
0xa6: {  	s4 =	sshll.u32 s26, $0x1;
	_ =	strace $0x80000049;
	[dreg:$0x1] =	wrdreg $0xFFFFFFFF  }
0xa7: {  	s28 =	simm.s32 $_size_execute0_lowered;
	s2 =	sadd.s32 s2, s4;
	[dreg:$0x0] =	wrdreg $0x0  }
0xa8: {  	s4 =	sshll.u32 s28, $0x1;
	[dreg:$0x2] =	wrdreg s2  }
0xa9: {  	[dreg:$0x3] =	wrdreg s4  }
0xaa: {  	[dreg:$0x4] =	wrdreg $0xC0  }
0xab: {  	_ =	task [dreg:s6], $0x5FFFF  }
0xac: {  	[dreg:$0x1] =	wrdreg $0xFFFFFFFF  }
0xad: {  	[dreg:$0x0] =	wrdreg $0x60  }
0xae: {  	[dreg:$0x2] =	wrdreg s24  }
0xaf: {  	[dreg:$0x3] =	wrdreg $0x90000  }
0xb0: {  	[dreg:$0x4] =	wrdreg $0x9  }
0xb1: {  	_ =	task.clear_ibuf [dreg:s6], $0x5FFFF;
	_ =	strace $0x90000049  }
0xb2: {  	s29 =	simm.s32 $0x9;
	_ =	strace $0x8000004B  }
0xb3: {  	_ =	swait.ge [sflag:s29], $0x1  }
0xb4: {  	[sflag:s29] =	ssyncadd.s32 $0xFFFFFFFF  }
0xb5: {  	_ =	strace $0x9000004B  }
0xb6: {  	_ =	sfence  }
0xb7: {  	s30 =	sld [smem:$0x0];
	_ =	sdelay $0x2  }
0xb8: {  	s31 =	sshll.u32 s1, $0xD;
	s1 =	sshrl.u32 s1, $0x2  }
0xb9: {  	s3 =	sand.u32 $0x4000, s31;
	s1 =	sadd.s32 s1, s30  }
0xba: {  	s0 =	sor.u32 s3, s0;
	s1 =	sshll.u32 s1, $0x11  }
0xbb: {  	s0 =	sor.u32 s1, s0  }
0xbc: {  	s0 =	sadd.s32 $0x8F2B, s0  }
0xbd: {  	[sflag:s0] =	ssyncadd.remote.s32 $0x1  }
0xbe: {  	_ =	sfence.sel $0xFFFF  }
0xbf: {  	[dreg:$0x0] =	wrdreg $0xFFFFFFFF;
	(pc) =	sbr.abs _section_cstart, $3  }
0xc0: {  	[dreg:$0x1] =	wrdreg $0xFFFFFFFF  }
0xc1: {  	_ =	task.clear_ibuf [dreg:s6], $0x2FFFF;
	_ =	strace $0x9FFFFFFF  }
0xc2: {  	(tm) =	ssettm $0x7FFFFFFF  }
0xc3: {  	_ =	shalt  }
tec
execute0_lowered:
.L_overlay_start_1:
0x0: {  	(tag) =	ssettag $0x1  }
0x1: {  	s1 =	srdreg.scid  }
0x2: {  	s0 =	stileid.u32;
	s6 =	rddreg [dreg:$0x0]  }
0x3: {  	s2 =	rddreg [dreg:$0x1];
	s3 =	simm.s32 $0x0;
	s4 =	smul.u32 $0x2800, s0  }
0x4: {  	s14 =	simm.s32 $0x80;
	s15 =	simm.s32 $0x5000;
	s9 =	smul.u32 $0x14000, s0  }
0x5: {  	s16 =	simm.s32 $0x1;
	s5 =	sand.u32 $0x1, s1;
	s12 =	smul.u32 $0x50000, s0  }
0x6: {  	s17 =	simm.s32 $0x0;
	s1 =	rddreg [dreg:$0x2];
	s7 =	smul.u32 $0x28000, s5  }
0x7: {  	[smem:$0x7FF] =	sst s3;
	s31 =	sshll.u32 s0, $0x6;
	s8 =	smul.u32 $0x140000, s5  }
0x8: {  	_ =	strace $0x8000004A;
	s29 =	ssub.s32 $0x2, s5;
	s5 =	sadd.s32 $0x9800, s6  }
0x9: {  	s11 =	sshrl.u32 s29, $0x1;
	s30 =	sshrl.u32 s12, $0x2;
	s12 =	sor.u32 $0x1C02, s31  }
0xa: {  	s7 =	sadd.s32 s4, s7;
	s4 =	sshrl.u32 s4, $0x3;
	s8 =	sadd.s32 s9, s8  }
0xb: {  	s9 =	ssub.s32 s29, s11;
	s13 =	sadd.s32 s30, s2;
	s11 =	simm.s32 $0x2800  }
0xc: {  	s7 =	sshrl.u32 s7, $0x3;
	s10 =	sadd.s32 s4, s6;
	s4 =	sadd.s32 $0xBB000, s6  }
0xd: {  	s8 =	sshrl.u32 s8, $0x3;
	s9 =	smax.u32 s9, $0x1;
	s7 =	sadd.s32 s7, s6  }
0xe: {  	s13 =	sshrl.u32 s13, $0x3;
	s8 =	sadd.s32 s8, s6;
	s6 =	sadd.s32 $0xB1000, s7  }
0xf: {  	s7 =	sadd.s32 $0x4800, s10;
	s8 =	sadd.s32 $0x10B000, s8;
	s10 =	simm.s32 $0x2  }
.LBB2_1:
0x10: {  	[tilespmem:s3], [sflag:$0x2] =	stream.linear.gather [hbm4b:s6+s3], $0x2800, $0x38;
	[tilespmem:$0x1D000] =	vst v63  }
0x11: {  	_ =	swait.ge [sflag:s10], $0x2800  }
0x12: {  	[sflag:s10] =	ssyncset.done $0x0  }
0x13: {  	[sflag:s10] =	ssyncadd.s32 $0xFFFFD800  }
0x14: {  	[tilespmem:s11], [sflag:$0x2] =	stream.linear.gather [hbm4b:s7+s3], $0x2800, $0x38;
	[tilespmem:$0x1D000] =	vst v63  }
0x15: {  	_ =	swait.ge [sflag:s10], $0x2800  }
0x16: {  	[sflag:s10] =	ssyncset.done $0x0  }
0x17: {  	[sflag:s10] =	ssyncadd.s32 $0xFFFFD800  }
0x18: {  	[spmem:s13], [sflag:s12] =	dma.local [hbm:s5], $0x2800  }
0x19: {  	_ =	swait.ge [sflag:s10], $0x2800  }
0x1a: {  	[sflag:s10] =	ssyncset.done $0x0  }
0x1b: {  	[sflag:s10] =	ssyncadd.s32 $0xFFFFD800  }
0x1c: {  	s18 =	simm.s32 $0x0;
	[bflag:$0x0] =	sbarrier.arrive $0xFFFF  }
0x1d: {  	[tilespmem:s15], [sflag:$0x1] =	stream.indirect.gather [hbm4b:s4+s14], $0x80, s18, s14, $0xb8;
	[tilespmem:$0x1D000] =	vst v63  }
0x1e: {  	_ =	swait.ge [sflag:s16], $0x4000  }
0x1f: {  	[sflag:s16] =	ssyncset.done $0x0  }
0x20: {  	s31 =	simm.s32 $0x2800;
	[sflag:s16] =	ssyncadd.s32 $0xFFFFC000  }
0x21: {  	[spmem:s2] =	stream.indirect.scatter.add.f32 [tilespmem:s15], [sflag:$0x2], $0x80, s31, s14, $0xb8;
	[tilespmem:$0x1D000] =	vst v63  }
0x22: {  	_ =	swait.ge [sflag:s10], $0x4000  }
0x23: {  	s19 =	simm.s32 $0x400;
	s18 =	simm.s32 $0x200;
	[sflag:s10] =	ssyncset.done $0x0  }
.LBB2_2:
0x24: {  	s20 =	sshra.s32 s18, $0x2  }
0x25: {  	[sflag:s10] =	ssyncadd.s32 $0xFFFFC000;
	s18 =	smov.u32 s19;
	s21 =	sadd.s32 $0x200, s19  }
0x26: {  	[tilespmem:s15], [sflag:$0x1] =	stream.indirect.gather [hbm4b:s4+s14], $0x80, s20, s14, $0xb8;
	[tilespmem:$0x1D000] =	vst v63  }
0x27: {  	p0 =	sne.s32 s19, $0x9E00;
	_ =	swait.ge [sflag:s16], $0x4000  }
.Ltmp0:
0x28: {  	[sflag:s16] =	ssyncset.done $0x0;
	(pc) =	sbr.rel @p0 .LBB2_2-.Ltmp0, $4  }
0x29: {  	s19 =	sadd.s32 $0x2800, s20;
	[sflag:s16] =	ssyncadd.s32 $0xFFFFC000  }
0x2a: {  	[spmem:s2] =	stream.indirect.scatter.add.f32 [tilespmem:s15], [sflag:$0x2], $0x80, s19, s14, $0xb8;
	[tilespmem:$0x1D000] =	vst v63  }
0x2b: {  	_ =	swait.ge [sflag:s10], $0x4000  }
0x2c: {  	s19 =	smov.u32 s21;
	[sflag:s10] =	ssyncset.done $0x0  }
0x2d: {  	s18 =	sshra.s32 s18, $0x2;
	[sflag:s10] =	ssyncadd.s32 $0xFFFFC000  }
0x2e: {  	[tilespmem:s15], [sflag:$0x1] =	stream.indirect.gather [hbm4b:s4+s14], $0x80, s18, s14, $0xb8;
	[tilespmem:$0x1D000] =	vst v63  }
0x2f: {  	_ =	swait.ge [sflag:s16], $0x4000  }
0x30: {  	[sflag:s16] =	ssyncset.done $0x0  }
0x31: {  	s18 =	sadd.s32 $0x2800, s18;
	[sflag:s16] =	ssyncadd.s32 $0xFFFFC000  }
0x32: {  	[spmem:s2] =	stream.indirect.scatter.add.f32 [tilespmem:s15], [sflag:$0x2], $0x80, s18, s14, $0xb8;
	[tilespmem:$0x1D000] =	vst v63  }
0x33: {  	_ =	swait.ge [sflag:s10], $0x4000  }
0x34: {  	s17 =	sadd.s32 $0x1, s17;
	[sflag:s10] =	ssyncset.done $0x0  }
0x35: {  	p0 =	sne.s32 s17, s9;
	[sflag:s10] =	ssyncadd.s32 $0xFFFFC000  }
.Ltmp1:
0x36: {  	[bflag:$0x0] =	sbarrier.arrive $0xFFFF;
	(pc) =	sbr.rel @p0 .LBB2_1-.Ltmp1, $4  }
0x37: {  	[hbm:s8], [sflag:s12] =	dma.local [spmem:s13], $0x2800  }
0x38: {  	_ =	swait.ge [sflag:s10], $0x2800  }
0x39: {  	[sflag:s10] =	ssyncset.done $0x0  }
0x3a: {  	[sflag:s10] =	ssyncadd.s32 $0xFFFFD800  }
0x3b: {  	_ =	sfence.sel $0x180000  }
0x3c: {  	[bflag:$0x0] =	sbarrier.arrive $0xFFFF  }
0x3d: {  	p0 =	sne.s32 s0, $0x0;
	_ =	strace $0x9000004A  }
0x3e: {  	s0 =	sadd.s32 @!p0 $0x100000, s1;
	[bflag:$0x2] =	sbarrier.arrive $0xFFFF  }
0x3f: {  	[sflag:s0] =	ssyncadd.tile.s32 @!p0 $0x1;
	_ =	shalt  }
.Lfunc_end2:
_tile_overlayer_lowered:
.L_overlay_start_2:
0x40: {  	(tag) =	ssettag $0x2  }
0x41: {  	s0 =	rddreg [dreg:$0x0];
	s2 =	stileid.u32  }
0x42: {  	s1 =	rddreg [dreg:$0x1];
	p0 =	sne.s32 s2, $0x0  }
0x43: {  	s3 =	rddreg [dreg:$0x2];
	[bflag:$0x3] =	sbarrier.arrive $0xFFFF;
	s2 =	simm.s32 @!p0 $0x1C02  }
0x44: {  	[timem:s3], [sflag:s2] =	dma.local @!p0 [hbm:s0], s1  }
0x45: {  	s0 =	simm.s32 @!p0 $0x2  }
0x46: {  	_ =	swait.ge @!p0 [sflag:s0], s1  }
0x47: {  	s1 =	ssub.s32 @!p0 $0x0, s1;
	[sflag:s0] =	ssyncset.done @!p0 $0x0  }
0x48: {  	[sflag:s0] =	ssyncadd.s32 @!p0 s1  }
0x49: {  	[bflag:$0x3] =	sbarrier.arrive $0xFFFF  }
0x4a: {  	_ =	shalt  }

// kernel: kernel.16.cloned.1.call-start
scs
__scs_entry_jumppad:
0x0: {  	(pc) =	sbr.rel $0x88, $3  }
0x1: {  	(tag) =	ssettag $0x0;
	lr =	simm.s32 $0x1  }
0x2: {  	[smem:$0x3F97] =	sst lr;
	_ =	strace $0xD0000000  }
0x3: {  	_ = 	snop  }
0x4: {  	_ = 	snop  }
0x5: {  	_ = 	snop  }
0x6: {  	_ = 	snop  }
0x7: {  	_ = 	snop  }
__scs_overlays_trampoline_lowered:
0x8: {  	[smem:$0x3FA6] =	sst s0  }
0x9: {  	[smem:$0x3FA7] =	sst s1  }
0xa: {  	[smem:$0x3FA8] =	sst s2  }
0xb: {  	[smem:$0x3FA9] =	sst s3  }
0xc: {  	[smem:$0x3FAA] =	sst s4  }
0xd: {  	[smem:$0x3FAB] =	sst s5  }
0xe: {  	[smem:$0x3FAC] =	sst s6  }
0xf: {  	[smem:$0x3FAD] =	sst s7  }
0x10: {  	[smem:$0x3FAE] =	sst s8  }
0x11: {  	[smem:$0x3FAF] =	sst s9;
	s0 =	simm.s32 @!p0 $0x0  }
0x12: {  	s1 =	sld [smem:$0x3F95];
	s0 =	simm.s32 @p0 $0x1  }
0x13: {  	[smem:$0x3FB0] =	sst s0;
	s0 =	simm.s32 @!p1 $0x0  }
0x14: {  	s2 =	sld [smem:$0x3F94];
	s0 =	simm.s32 @p1 $0x1  }
0x15: {  	[smem:$0x3FB1] =	sst s0;
	s0 =	simm.s32 @!p2 $0x0  }
0x16: {  	s3 =	sld [smem:$0x3FDB];
	s0 =	simm.s32 @p2 $0x1  }
0x17: {  	s4 =	simm.s32 $0x1BF5;
	[smem:$0x3FB3] =	sst s0  }
0x18: {  	s0 =	sld [smem:$0x3F96];
	_ =	swait.ge [sflag:s4], $0x0  }
0x19: {  	s7 =	sld [smem:$0x3F97]  }
0x1a: {  	s8 =	sadd.s32 $0xFFFFE003, lr  }
0x1b: {  	s9 =	sadd.s32 $0xFFFFFEF7, lr;
	s5 =	simm.s32 $0xFFFFFFFF;
	p2 =	slt.u32 s8, $0xFFFFF086  }
0x1c: {  	p1 =	slt.u32 s9, $0xF7A;
	s5 =	simm.s32 @!p2 $0x0  }
0x1d: {  	s5 =	simm.s32 @p1 $0x1;
	p0 =	seq.s32 s7, s2  }
0x1e: {  	s7 =	smul.u32 @!p0 $0xF7A, s2;
	p2 =	seq.s32 @!p0 s5, $0x0  }
0x1f: {  	s9 =	smul.u32 $0xF7A, s1;
	s8 =	simm.s32 @!p0 $0x1BF5;
	p2 =	por !p2, p0  }
0x20: {  	[sflag:s8] =	ssyncset.s32 @!p0 $0xFFFFF086;
	s6 =	sadd.s32 @!p0 s3, s7;
	s7 =	simm.s32 @!p0 $0x108  }
0x21: {  	s3 =	sadd.s32 s3, s9;
	s6 =	sadd.s32 @!p0 $0x88, s6;
	s7 =	simm.s32 @p2 $0x1082  }
0x22: {  	[simem:s7], [sflag:s8] =	dma.local @!p0 [hbm:s6], $0xF7A  }
0x23: {  	s9 =	sor.u32 $0xD0000000, s2;
	s6 =	simm.s32 $0x108;
	_ =	swait.ge @!p0 [sflag:s8], $0x0  }
0x24: {  	s3 =	sadd.s32 $0x88, s3;
	s6 =	simm.s32 @!p1 $0x1082;
	[sflag:s4] =	ssyncset.s32 $0xFFFFF086  }
0x25: {  	[simem:s6], [sflag:s4] =	dma.local [hbm:s3], $0xF7A  }
0x26: {  	[smem:$0x3F97] =	sst s1;
	(tag) =	ssettag s2;
	_ =	strace s9  }
0x27: {  	s1 =	sld [smem:$0x3FA7]  }
0x28: {  	s2 =	sld [smem:$0x3FA8]  }
0x29: {  	s4 =	sld [smem:$0x3FAA]  }
0x2a: {  	p0 =	seq.s32 s5, $0x0;
	s5 =	sld [smem:$0x3FAB]  }
0x2b: {  	s6 =	sld [smem:$0x3FAC]  }
0x2c: {  	s7 =	sld [smem:$0x3FAD]  }
0x2d: {  	s3 =	simm.s32 $0x108;
	s8 =	sld [smem:$0x3FAE]  }
0x2e: {  	s3 =	simm.s32 @!p0 $0x1082;
	s9 =	sld [smem:$0x3FAF]  }
0x2f: {  	lr =	sadd.s32 s0, s3;
	s0 =	sld [smem:$0x3FA6]  }
0x30: {  	s3 =	sld [smem:$0x3FA9]  }
0x31: {  	[smem:$0x3FB2] =	sst s10  }
0x32: {  	s10 =	sld [smem:$0x3FB0];
	_ =	sdelay $0x3  }
0x33: {  	p0 =	seq.s32 s10, $0x1;
	s10 =	sld [smem:$0x3FB2];
	_ =	sdelay $0x3  }
0x34: {  	[smem:$0x3FB2] =	sst s10  }
0x35: {  	s10 =	sld [smem:$0x3FB1];
	_ =	sdelay $0x3  }
0x36: {  	p1 =	seq.s32 s10, $0x1;
	s10 =	sld [smem:$0x3FB2];
	_ =	sdelay $0x3  }
0x37: {  	[smem:$0x3FB2] =	sst s10  }
0x38: {  	s10 =	sld [smem:$0x3FB3]  }
0x39: {  	_ = 	snop;
	(pc) =	sbr.ind lr, $3  }
0x3a: {  	_ = 	snop  }
0x3b: {  	_ = 	snop  }
0x3c: {  	p2 =	seq.s32 s10, $0x1;
	s10 =	sld [smem:$0x3FB2]  }
0x3d: {  	_ =	shalt  }
0x3e: {  	_ =	shalt  }
0x3f: {  	_ =	shalt  }
0x40: {  	_ =	shalt  }
0x41: {  	_ =	shalt  }
0x42: {  	_ =	shalt  }
0x43: {  	_ =	shalt  }
0x44: {  	_ =	shalt  }
0x45: {  	_ =	shalt  }
0x46: {  	_ =	shalt  }
0x47: {  	_ =	shalt  }
0x48: {  	_ =	shalt  }
0x49: {  	_ =	shalt  }
0x4a: {  	_ =	shalt  }
0x4b: {  	_ =	shalt  }
0x4c: {  	_ =	shalt  }
0x4d: {  	_ =	shalt  }
0x4e: {  	_ =	shalt  }
0x4f: {  	_ =	shalt  }
0x50: {  	_ =	shalt  }
0x51: {  	_ =	shalt  }
0x52: {  	_ =	shalt  }
0x53: {  	_ =	shalt  }
0x54: {  	_ =	shalt  }
0x55: {  	_ =	shalt  }
0x56: {  	_ =	shalt  }
0x57: {  	_ =	shalt  }
0x58: {  	_ =	shalt  }
0x59: {  	_ =	shalt  }
0x5a: {  	_ =	shalt  }
0x5b: {  	_ =	shalt  }
0x5c: {  	_ =	shalt  }
0x5d: {  	_ =	shalt  }
0x5e: {  	_ =	shalt  }
0x5f: {  	_ =	shalt  }
0x60: {  	_ =	shalt  }
0x61: {  	_ =	shalt  }
0x62: {  	_ =	shalt  }
0x63: {  	_ =	shalt  }
0x64: {  	_ =	shalt  }
0x65: {  	_ =	shalt  }
0x66: {  	_ =	shalt  }
0x67: {  	_ =	shalt  }
0x68: {  	_ =	shalt  }
0x69: {  	_ =	shalt  }
0x6a: {  	_ =	shalt  }
0x6b: {  	_ =	shalt  }
0x6c: {  	_ =	shalt  }
0x6d: {  	_ =	shalt  }
0x6e: {  	_ =	shalt  }
0x6f: {  	_ =	shalt  }
0x70: {  	_ =	shalt  }
0x71: {  	_ =	shalt  }
0x72: {  	_ =	shalt  }
0x73: {  	_ =	shalt  }
0x74: {  	_ =	shalt  }
0x75: {  	_ =	shalt  }
0x76: {  	_ =	shalt  }
0x77: {  	_ =	shalt  }
0x78: {  	_ =	shalt  }
0x79: {  	_ =	shalt  }
0x7a: {  	_ =	shalt  }
0x7b: {  	_ =	shalt  }
0x7c: {  	_ =	shalt  }
0x7d: {  	_ =	shalt  }
0x7e: {  	_ =	shalt  }
0x7f: {  	_ =	shalt  }
0x80: {  	_ =	shalt  }
0x81: {  	_ =	shalt  }
0x82: {  	_ =	shalt  }
0x83: {  	_ =	shalt  }
0x84: {  	_ =	shalt  }
0x85: {  	_ =	shalt  }
0x86: {  	_ =	shalt  }
0x87: {  	_ =	shalt  }
.Lfunc_end0:
.L_simem_size_0:
called_computation.2_lowered:
.L_overlay_start_0:
0x88: {  	s2 =	sld [smem:$0x3FD9]  }
0x89: {  	s3 =	sld [smem:$0x3FFE];
	_ =	sdelay $0x1  }
0x8a: {  	s1 =	srdreg.scid  }
0x8b: {  	s0 =	sand.u32 $0x1, s1  }
0x8c: {  	s16 =	sshll.u32 s0, $0xA;
	s2 =	sadd.s32 s3, s2  }
0x8d: {  	s2 =	sadd.s32 s2, s16  }
0x8e: {  	[smem:$0x3FBE] =	sst s2  }
0x8f: {  	_ = 	snop  }
0x90: {  	(tm) =	ssettm $0x1  }
0x91: {  	s17 =	sld [smem:$0x3FFB];
	_ =	sdelay $0x3  }
0x92: {  	_ =	strace s17  }
0x93: {  	s2 =	sld [smem:$0x3FFC];
	_ =	sdelay $0x3  }
0x94: {  	_ =	strace s2  }
0x95: {  	s2 =	sld [smem:$0x3FFD];
	_ =	sdelay $0x3  }
0x96: {  	_ =	strace s2  }
0x97: {  	_ =	strace $0x8FFFFFFF  }
0x98: {  	s18 =	sld [smem:$0x3FDB];
	_ =	sdelay $0x1  }
0x99: {  	s19 =	simm.s32 $_scs_section_size  }
0x9a: {  	s4 =	simm.s32 $_size__tile_overlayer_lowered;
	s5 =	simm.s32 $_tile_overlayer_lowered  }
0x9b: {  	s22 =	simm.s32 $0x1BFF;
	s21 =	sshll.u32 s5, $0x1;
	s2 =	sadd.s32 s19, s18  }
0x9c: {  	s6 =	simm.s32 $0x0;
	s20 =	sshll.u32 s4, $0x1;
	s4 =	sadd.s32 s21, s2  }
0x9d: {  	[timem:s6], [sflag:s22] =	dma.local [hbm:s4], s20  }
0x9e: {  	_ =	swait.ge [sflag:s22], s20  }
0x9f: {  	s3 =	ssub.s32 $0x0, s20;
	[sflag:s22] =	ssyncset.done $0x0  }
0xa0: {  	[sflag:s22] =	ssyncadd.s32 s3;
	_ =	sdelay $0x1  }
0xa1: {  	s23 =	simm.s32 $0x1B8B  }
0xa2: {  	_ =	swait.ge [sflag:s23], $0x1  }
0xa3: {  	[sflag:s23] =	ssyncset.done $0x0  }
0xa4: {  	s25 =	simm.s32 $0x1B8E;
	s24 =	sld [smem:$0x3FFE];
	[sflag:s23] =	ssyncadd.s32 $0xFFFFFFFF  }
0xa5: {  	s26 =	simm.s32 $execute0_lowered;
	[smem:$0x3FD2] =	sst s25  }
0xa6: {  	s4 =	sshll.u32 s26, $0x1;
	_ =	strace $0x8000004C;
	[dreg:$0x1] =	wrdreg $0xFFFFFFFF  }
0xa7: {  	s28 =	simm.s32 $_size_execute0_lowered;
	s2 =	sadd.s32 s2, s4;
	[dreg:$0x0] =	wrdreg $0x0  }
0xa8: {  	s4 =	sshll.u32 s28, $0x1;
	[dreg:$0x2] =	wrdreg s2  }
0xa9: {  	[dreg:$0x3] =	wrdreg s4  }
0xaa: {  	[dreg:$0x4] =	wrdreg $0xC0  }
0xab: {  	_ =	task [dreg:s6], $0x5FFFF  }
0xac: {  	[dreg:$0x1] =	wrdreg $0xFFFFFFFF  }
0xad: {  	[dreg:$0x0] =	wrdreg $0x60  }
0xae: {  	[dreg:$0x2] =	wrdreg s24  }
0xaf: {  	[dreg:$0x3] =	wrdreg $0x90000  }
0xb0: {  	[dreg:$0x4] =	wrdreg $0x9  }
0xb1: {  	_ =	task.clear_ibuf [dreg:s6], $0x5FFFF;
	_ =	strace $0x9000004C  }
0xb2: {  	s29 =	simm.s32 $0x9;
	_ =	strace $0x8000004E  }
0xb3: {  	_ =	swait.ge [sflag:s29], $0x1  }
0xb4: {  	[sflag:s29] =	ssyncadd.s32 $0xFFFFFFFF  }
0xb5: {  	_ =	strace $0x9000004E  }
0xb6: {  	_ =	sfence  }
0xb7: {  	s30 =	sld [smem:$0x0];
	_ =	sdelay $0x2  }
0xb8: {  	s31 =	sshll.u32 s1, $0xD;
	s1 =	sshrl.u32 s1, $0x2  }
0xb9: {  	s3 =	sand.u32 $0x4000, s31;
	s1 =	sadd.s32 s1, s30  }
0xba: {  	s0 =	sor.u32 s3, s0;
	s1 =	sshll.u32 s1, $0x11  }
0xbb: {  	s0 =	sor.u32 s1, s0  }
0xbc: {  	s0 =	sadd.s32 $0x8F2B, s0  }
0xbd: {  	[sflag:s0] =	ssyncadd.remote.s32 $0x1  }
0xbe: {  	_ =	sfence.sel $0xFFFF  }
0xbf: {  	[dreg:$0x0] =	wrdreg $0xFFFFFFFF;
	(pc) =	sbr.abs _section_cstart, $3  }
0xc0: {  	[dreg:$0x1] =	wrdreg $0xFFFFFFFF  }
0xc1: {  	_ =	task.clear_ibuf [dreg:s6], $0x2FFFF;
	_ =	strace $0x9FFFFFFF  }
0xc2: {  	(tm) =	ssettm $0x7FFFFFFF  }
0xc3: {  	_ =	shalt  }
tec
execute0_lowered:
.L_overlay_start_1:
0x0: {  	(tag) =	ssettag $0x1  }
0x1: {  	s6 =	rddreg [dreg:$0x0];
	s0 =	stileid.u32  }
0x2: {  	s1 =	srdreg.scid;
	s2 =	rddreg [dreg:$0x1]  }
0x3: {  	s3 =	simm.s32 $0x0;
	s16 =	simm.s32 $0x80;
	s17 =	simm.s32 $0x5000  }
0x4: {  	s18 =	simm.s32 $0x1;
	s19 =	simm.s32 $0x0;
	s4 =	smul.u32 $0x500, s0  }
0x5: {  	s7 =	sand.u32 $0x1, s1;
	s1 =	rddreg [dreg:$0x2];
	s9 =	smul.u32 $0x14000, s0  }
0x6: {  	[smem:$0x7FF] =	sst s3;
	s5 =	sadd.s32 $0x9800, s6;
	s11 =	smul.u32 $0x50000, s0  }
0x7: {  	s14 =	sshll.u32 s0, $0x6;
	s8 =	smul.u32 $0x140000, s7;
	_ =	strace $0x8000004D  }
0x8: {  	s28 =	ssub.s32 $0x2, s7;
	s30 =	smul.u32 $0x5000, s7;
	s14 =	sor.u32 $0x1C02, s14  }
0x9: {  	s10 =	sadd.s32 s4, s6;
	s4 =	sadd.s32 $0x84000, s6;
	s29 =	sshrl.u32 s28, $0x1  }
0xa: {  	s31 =	sshrl.u32 s11, $0x2;
	s8 =	sadd.s32 s9, s8;
	s13 =	ssub.s32 s28, s29  }
0xb: {  	s7 =	sadd.s32 $0x4800, s10;
	s15 =	sadd.s32 s31, s2;
	s8 =	sshrl.u32 s8, $0x3  }
0xc: {  	s15 =	sshrl.u32 s15, $0x3;
	s12 =	sadd.s32 s8, s6;
	s6 =	sadd.s32 $0xAC000, s10  }
0xd: {  	s8 =	sshrl.u32 s30, $0x2;
	s10 =	smax.u32 s13, $0x1;
	s13 =	simm.s32 $0x2800  }
0xe: {  	s9 =	sadd.s32 $0xC000, s12;
	s11 =	sadd.s32 $0x2800, s8;
	s12 =	simm.s32 $0x2  }
.LBB2_1:
0xf: {  	[tilespmem:s3], [sflag:$0x2] =	stream.linear.gather [hbm4b:s6+s3], $0x2800, $0x38;
	[tilespmem:$0x1D000] =	vst v63  }
0x10: {  	_ =	swait.ge [sflag:s12], $0x2800  }
0x11: {  	[sflag:s12] =	ssyncset.done $0x0  }
0x12: {  	[sflag:s12] =	ssyncadd.s32 $0xFFFFD800  }
0x13: {  	[tilespmem:s13], [sflag:$0x2] =	stream.linear.gather [hbm4b:s7+s3], $0x2800, $0x38;
	[tilespmem:$0x1D000] =	vst v63  }
0x14: {  	_ =	swait.ge [sflag:s12], $0x2800  }
0x15: {  	[sflag:s12] =	ssyncset.done $0x0  }
0x16: {  	[sflag:s12] =	ssyncadd.s32 $0xFFFFD800  }
0x17: {  	[spmem:s15], [sflag:s14] =	dma.local [hbm:s5], $0x2800  }
0x18: {  	_ =	swait.ge [sflag:s12], $0x2800  }
0x19: {  	[sflag:s12] =	ssyncset.done $0x0  }
0x1a: {  	[sflag:s12] =	ssyncadd.s32 $0xFFFFD800  }
0x1b: {  	s20 =	sadd.s32 $0x0, s8;
	[bflag:$0x0] =	sbarrier.arrive $0xFFFF  }
0x1c: {  	[tilespmem:s17], [sflag:$0x1] =	stream.indirect.gather [hbm4b:s4+s16], $0x80, s20, s16, $0xb8;
	[tilespmem:$0x1D000] =	vst v63  }
0x1d: {  	_ =	swait.ge [sflag:s18], $0x4000  }
0x1e: {  	[sflag:s18] =	ssyncset.done $0x0  }
0x1f: {  	s31 =	sadd.s32 $0x0, s11;
	[sflag:s18] =	ssyncadd.s32 $0xFFFFC000  }
0x20: {  	[spmem:s2] =	stream.indirect.scatter.add.f32 [tilespmem:s17], [sflag:$0x2], $0x80, s31, s16, $0xb8;
	[tilespmem:$0x1D000] =	vst v63  }
0x21: {  	_ =	swait.ge [sflag:s12], $0x4000  }
0x22: {  	s21 =	simm.s32 $0x400;
	s20 =	simm.s32 $0x80;
	[sflag:s12] =	ssyncset.done $0x0  }
.LBB2_2:
0x23: {  	s22 =	sadd.s32 s20, s8  }
0x24: {  	[sflag:s12] =	ssyncadd.s32 $0xFFFFC000;
	s23 =	smov.u32 s21;
	s24 =	sadd.s32 $0x200, s21  }
0x25: {  	[tilespmem:s17], [sflag:$0x1] =	stream.indirect.gather [hbm4b:s4+s16], $0x80, s22, s16, $0xb8;
	[tilespmem:$0x1D000] =	vst v63  }
0x26: {  	p0 =	sne.s32 s21, $0x4E00;
	_ =	swait.ge [sflag:s18], $0x4000  }
.Ltmp0:
0x27: {  	[sflag:s18] =	ssyncset.done $0x0;
	(pc) =	sbr.rel @p0 .LBB2_2-.Ltmp0, $4  }
0x28: {  	s20 =	sadd.s32 s20, s11;
	[sflag:s18] =	ssyncadd.s32 $0xFFFFC000  }
0x29: {  	[spmem:s2] =	stream.indirect.scatter.add.f32 [tilespmem:s17], [sflag:$0x2], $0x80, s20, s16, $0xb8;
	[tilespmem:$0x1D000] =	vst v63  }
0x2a: {  	_ =	swait.ge [sflag:s12], $0x4000  }
0x2b: {  	s21 =	smov.u32 s24;
	s20 =	sshra.s32 s23, $0x2;
	[sflag:s12] =	ssyncset.done $0x0  }
0x2c: {  	s21 =	sadd.s32 s20, s8;
	[sflag:s12] =	ssyncadd.s32 $0xFFFFC000  }
0x2d: {  	[tilespmem:s17], [sflag:$0x1] =	stream.indirect.gather [hbm4b:s4+s16], $0x80, s21, s16, $0xb8;
	[tilespmem:$0x1D000] =	vst v63  }
0x2e: {  	_ =	swait.ge [sflag:s18], $0x4000  }
0x2f: {  	[sflag:s18] =	ssyncset.done $0x0  }
0x30: {  	s31 =	sadd.s32 s20, s11;
	[sflag:s18] =	ssyncadd.s32 $0xFFFFC000  }
0x31: {  	[spmem:s2] =	stream.indirect.scatter.add.f32 [tilespmem:s17], [sflag:$0x2], $0x80, s31, s16, $0xb8;
	[tilespmem:$0x1D000] =	vst v63  }
0x32: {  	_ =	swait.ge [sflag:s12], $0x4000  }
0x33: {  	s19 =	sadd.s32 $0x1, s19;
	[sflag:s12] =	ssyncset.done $0x0  }
0x34: {  	p0 =	sne.s32 s19, s10;
	[sflag:s12] =	ssyncadd.s32 $0xFFFFC000  }
.Ltmp1:
0x35: {  	[bflag:$0x0] =	sbarrier.arrive $0xFFFF;
	(pc) =	sbr.rel @p0 .LBB2_1-.Ltmp1, $4  }
0x36: {  	[hbm:s9], [sflag:s14] =	dma.local [spmem:s15], $0x2800  }
0x37: {  	_ =	swait.ge [sflag:s12], $0x2800  }
0x38: {  	[sflag:s12] =	ssyncset.done $0x0  }
0x39: {  	[sflag:s12] =	ssyncadd.s32 $0xFFFFD800  }
0x3a: {  	_ =	sfence.sel $0x180000  }
0x3b: {  	[bflag:$0x0] =	sbarrier.arrive $0xFFFF  }
0x3c: {  	p0 =	sne.s32 s0, $0x0;
	_ =	strace $0x9000004D  }
0x3d: {  	s0 =	sadd.s32 @!p0 $0x100000, s1;
	[bflag:$0x2] =	sbarrier.arrive $0xFFFF  }
0x3e: {  	[sflag:s0] =	ssyncadd.tile.s32 @!p0 $0x1;
	_ =	shalt  }
.Lfunc_end2:
_tile_overlayer_lowered:
.L_overlay_start_2:
0x3f: {  	(tag) =	ssettag $0x2  }
0x40: {  	s0 =	rddreg [dreg:$0x0];
	s2 =	stileid.u32  }
0x41: {  	s1 =	rddreg [dreg:$0x1];
	p0 =	sne.s32 s2, $0x0  }
0x42: {  	s3 =	rddreg [dreg:$0x2];
	[bflag:$0x3] =	sbarrier.arrive $0xFFFF;
	s2 =	simm.s32 @!p0 $0x1C02  }
0x43: {  	[timem:s3], [sflag:s2] =	dma.local @!p0 [hbm:s0], s1  }
0x44: {  	s0 =	simm.s32 @!p0 $0x2  }
0x45: {  	_ =	swait.ge @!p0 [sflag:s0], s1  }
0x46: {  	s1 =	ssub.s32 @!p0 $0x0, s1;
	[sflag:s0] =	ssyncset.done @!p0 $0x0  }
0x47: {  	[sflag:s0] =	ssyncadd.s32 @!p0 s1  }
0x48: {  	[bflag:$0x3] =	sbarrier.arrive $0xFFFF  }
0x49: {  	_ =	shalt  }

// kernel: kernel.19.cloned.1.call-start
scs
__scs_entry_jumppad:
0x0: {  	(pc) =	sbr.rel $0x88, $3  }
0x1: {  	(tag) =	ssettag $0x0;
	lr =	simm.s32 $0x1  }
0x2: {  	[smem:$0x3F97] =	sst lr;
	_ =	strace $0xD0000000  }
0x3: {  	_ = 	snop  }
0x4: {  	_ = 	snop  }
0x5: {  	_ = 	snop  }
0x6: {  	_ = 	snop  }
0x7: {  	_ = 	snop  }
__scs_overlays_trampoline_lowered:
0x8: {  	[smem:$0x3FA6] =	sst s0  }
0x9: {  	[smem:$0x3FA7] =	sst s1  }
0xa: {  	[smem:$0x3FA8] =	sst s2  }
0xb: {  	[smem:$0x3FA9] =	sst s3  }
0xc: {  	[smem:$0x3FAA] =	sst s4  }
0xd: {  	[smem:$0x3FAB] =	sst s5  }
0xe: {  	[smem:$0x3FAC] =	sst s6  }
0xf: {  	[smem:$0x3FAD] =	sst s7  }
0x10: {  	[smem:$0x3FAE] =	sst s8  }
0x11: {  	[smem:$0x3FAF] =	sst s9;
	s0 =	simm.s32 @!p0 $0x0  }
0x12: {  	s1 =	sld [smem:$0x3F95];
	s0 =	simm.s32 @p0 $0x1  }
0x13: {  	[smem:$0x3FB0] =	sst s0;
	s0 =	simm.s32 @!p1 $0x0  }
0x14: {  	s2 =	sld [smem:$0x3F94];
	s0 =	simm.s32 @p1 $0x1  }
0x15: {  	[smem:$0x3FB1] =	sst s0;
	s0 =	simm.s32 @!p2 $0x0  }
0x16: {  	s3 =	sld [smem:$0x3FDB];
	s0 =	simm.s32 @p2 $0x1  }
0x17: {  	s4 =	simm.s32 $0x1BF5;
	[smem:$0x3FB3] =	sst s0  }
0x18: {  	s0 =	sld [smem:$0x3F96];
	_ =	swait.ge [sflag:s4], $0x0  }
0x19: {  	s7 =	sld [smem:$0x3F97]  }
0x1a: {  	s8 =	sadd.s32 $0xFFFFE003, lr  }
0x1b: {  	s9 =	sadd.s32 $0xFFFFFEF7, lr;
	s5 =	simm.s32 $0xFFFFFFFF;
	p2 =	slt.u32 s8, $0xFFFFF086  }
0x1c: {  	p1 =	slt.u32 s9, $0xF7A;
	s5 =	simm.s32 @!p2 $0x0  }
0x1d: {  	s5 =	simm.s32 @p1 $0x1;
	p0 =	seq.s32 s7, s2  }
0x1e: {  	s7 =	smul.u32 @!p0 $0xF7A, s2;
	p2 =	seq.s32 @!p0 s5, $0x0  }
0x1f: {  	s9 =	smul.u32 $0xF7A, s1;
	s8 =	simm.s32 @!p0 $0x1BF5;
	p2 =	por !p2, p0  }
0x20: {  	[sflag:s8] =	ssyncset.s32 @!p0 $0xFFFFF086;
	s6 =	sadd.s32 @!p0 s3, s7;
	s7 =	simm.s32 @!p0 $0x108  }
0x21: {  	s3 =	sadd.s32 s3, s9;
	s6 =	sadd.s32 @!p0 $0x88, s6;
	s7 =	simm.s32 @p2 $0x1082  }
0x22: {  	[simem:s7], [sflag:s8] =	dma.local @!p0 [hbm:s6], $0xF7A  }
0x23: {  	s9 =	sor.u32 $0xD0000000, s2;
	s6 =	simm.s32 $0x108;
	_ =	swait.ge @!p0 [sflag:s8], $0x0  }
0x24: {  	s3 =	sadd.s32 $0x88, s3;
	s6 =	simm.s32 @!p1 $0x1082;
	[sflag:s4] =	ssyncset.s32 $0xFFFFF086  }
0x25: {  	[simem:s6], [sflag:s4] =	dma.local [hbm:s3], $0xF7A  }
0x26: {  	[smem:$0x3F97] =	sst s1;
	(tag) =	ssettag s2;
	_ =	strace s9  }
0x27: {  	s1 =	sld [smem:$0x3FA7]  }
0x28: {  	s2 =	sld [smem:$0x3FA8]  }
0x29: {  	s4 =	sld [smem:$0x3FAA]  }
0x2a: {  	p0 =	seq.s32 s5, $0x0;
	s5 =	sld [smem:$0x3FAB]  }
0x2b: {  	s6 =	sld [smem:$0x3FAC]  }
0x2c: {  	s7 =	sld [smem:$0x3FAD]  }
0x2d: {  	s3 =	simm.s32 $0x108;
	s8 =	sld [smem:$0x3FAE]  }
0x2e: {  	s3 =	simm.s32 @!p0 $0x1082;
	s9 =	sld [smem:$0x3FAF]  }
0x2f: {  	lr =	sadd.s32 s0, s3;
	s0 =	sld [smem:$0x3FA6]  }
0x30: {  	s3 =	sld [smem:$0x3FA9]  }
0x31: {  	[smem:$0x3FB2] =	sst s10  }
0x32: {  	s10 =	sld [smem:$0x3FB0];
	_ =	sdelay $0x3  }
0x33: {  	p0 =	seq.s32 s10, $0x1;
	s10 =	sld [smem:$0x3FB2];
	_ =	sdelay $0x3  }
0x34: {  	[smem:$0x3FB2] =	sst s10  }
0x35: {  	s10 =	sld [smem:$0x3FB1];
	_ =	sdelay $0x3  }
0x36: {  	p1 =	seq.s32 s10, $0x1;
	s10 =	sld [smem:$0x3FB2];
	_ =	sdelay $0x3  }
0x37: {  	[smem:$0x3FB2] =	sst s10  }
0x38: {  	s10 =	sld [smem:$0x3FB3]  }
0x39: {  	_ = 	snop;
	(pc) =	sbr.ind lr, $3  }
0x3a: {  	_ = 	snop  }
0x3b: {  	_ = 	snop  }
0x3c: {  	p2 =	seq.s32 s10, $0x1;
	s10 =	sld [smem:$0x3FB2]  }
0x3d: {  	_ =	shalt  }
0x3e: {  	_ =	shalt  }
0x3f: {  	_ =	shalt  }
0x40: {  	_ =	shalt  }
0x41: {  	_ =	shalt  }
0x42: {  	_ =	shalt  }
0x43: {  	_ =	shalt  }
0x44: {  	_ =	shalt  }
0x45: {  	_ =	shalt  }
0x46: {  	_ =	shalt  }
0x47: {  	_ =	shalt  }
0x48: {  	_ =	shalt  }
0x49: {  	_ =	shalt  }
0x4a: {  	_ =	shalt  }
0x4b: {  	_ =	shalt  }
0x4c: {  	_ =	shalt  }
0x4d: {  	_ =	shalt  }
0x4e: {  	_ =	shalt  }
0x4f: {  	_ =	shalt  }
0x50: {  	_ =	shalt  }
0x51: {  	_ =	shalt  }
0x52: {  	_ =	shalt  }
0x53: {  	_ =	shalt  }
0x54: {  	_ =	shalt  }
0x55: {  	_ =	shalt  }
0x56: {  	_ =	shalt  }
0x57: {  	_ =	shalt  }
0x58: {  	_ =	shalt  }
0x59: {  	_ =	shalt  }
0x5a: {  	_ =	shalt  }
0x5b: {  	_ =	shalt  }
0x5c: {  	_ =	shalt  }
0x5d: {  	_ =	shalt  }
0x5e: {  	_ =	shalt  }
0x5f: {  	_ =	shalt  }
0x60: {  	_ =	shalt  }
0x61: {  	_ =	shalt  }
0x62: {  	_ =	shalt  }
0x63: {  	_ =	shalt  }
0x64: {  	_ =	shalt  }
0x65: {  	_ =	shalt  }
0x66: {  	_ =	shalt  }
0x67: {  	_ =	shalt  }
0x68: {  	_ =	shalt  }
0x69: {  	_ =	shalt  }
0x6a: {  	_ =	shalt  }
0x6b: {  	_ =	shalt  }
0x6c: {  	_ =	shalt  }
0x6d: {  	_ =	shalt  }
0x6e: {  	_ =	shalt  }
0x6f: {  	_ =	shalt  }
0x70: {  	_ =	shalt  }
0x71: {  	_ =	shalt  }
0x72: {  	_ =	shalt  }
0x73: {  	_ =	shalt  }
0x74: {  	_ =	shalt  }
0x75: {  	_ =	shalt  }
0x76: {  	_ =	shalt  }
0x77: {  	_ =	shalt  }
0x78: {  	_ =	shalt  }
0x79: {  	_ =	shalt  }
0x7a: {  	_ =	shalt  }
0x7b: {  	_ =	shalt  }
0x7c: {  	_ =	shalt  }
0x7d: {  	_ =	shalt  }
0x7e: {  	_ =	shalt  }
0x7f: {  	_ =	shalt  }
0x80: {  	_ =	shalt  }
0x81: {  	_ =	shalt  }
0x82: {  	_ =	shalt  }
0x83: {  	_ =	shalt  }
0x84: {  	_ =	shalt  }
0x85: {  	_ =	shalt  }
0x86: {  	_ =	shalt  }
0x87: {  	_ =	shalt  }
.Lfunc_end0:
.L_simem_size_0:
called_computation.3_lowered:
.L_overlay_start_0:
0x88: {  	s2 =	sld [smem:$0x3FD9]  }
0x89: {  	s3 =	sld [smem:$0x3FFE];
	_ =	sdelay $0x1  }
0x8a: {  	s1 =	srdreg.scid  }
0x8b: {  	s0 =	sand.u32 $0x1, s1  }
0x8c: {  	s16 =	sshll.u32 s0, $0xA;
	s2 =	sadd.s32 s3, s2  }
0x8d: {  	s2 =	sadd.s32 s2, s16  }
0x8e: {  	[smem:$0x3FBE] =	sst s2  }
0x8f: {  	_ = 	snop  }
0x90: {  	(tm) =	ssettm $0x1  }
0x91: {  	s17 =	sld [smem:$0x3FFB];
	_ =	sdelay $0x3  }
0x92: {  	_ =	strace s17  }
0x93: {  	s2 =	sld [smem:$0x3FFC];
	_ =	sdelay $0x3  }
0x94: {  	_ =	strace s2  }
0x95: {  	s2 =	sld [smem:$0x3FFD];
	_ =	sdelay $0x3  }
0x96: {  	_ =	strace s2  }
0x97: {  	_ =	strace $0x8FFFFFFF  }
0x98: {  	s18 =	sld [smem:$0x3FDB];
	_ =	sdelay $0x1  }
0x99: {  	s19 =	simm.s32 $_scs_section_size  }
0x9a: {  	s4 =	simm.s32 $_size__tile_overlayer_lowered;
	s5 =	simm.s32 $_tile_overlayer_lowered  }
0x9b: {  	s22 =	simm.s32 $0x1BFF;
	s21 =	sshll.u32 s5, $0x1;
	s2 =	sadd.s32 s19, s18  }
0x9c: {  	s6 =	simm.s32 $0x0;
	s20 =	sshll.u32 s4, $0x1;
	s4 =	sadd.s32 s21, s2  }
0x9d: {  	[timem:s6], [sflag:s22] =	dma.local [hbm:s4], s20  }
0x9e: {  	_ =	swait.ge [sflag:s22], s20  }
0x9f: {  	s3 =	ssub.s32 $0x0, s20;
	[sflag:s22] =	ssyncset.done $0x0  }
0xa0: {  	[sflag:s22] =	ssyncadd.s32 s3;
	_ =	sdelay $0x1  }
0xa1: {  	s23 =	simm.s32 $0x1B8B  }
0xa2: {  	_ =	swait.ge [sflag:s23], $0x1  }
0xa3: {  	[sflag:s23] =	ssyncset.done $0x0  }
0xa4: {  	s25 =	simm.s32 $0x1B8E;
	s24 =	sld [smem:$0x3FFE];
	[sflag:s23] =	ssyncadd.s32 $0xFFFFFFFF  }
0xa5: {  	s26 =	simm.s32 $execute0_lowered;
	[smem:$0x3FD2] =	sst s25  }
0xa6: {  	s4 =	sshll.u32 s26, $0x1;
	_ =	strace $0x8000004F;
	[dreg:$0x1] =	wrdreg $0xFFFFFFFF  }
0xa7: {  	s28 =	simm.s32 $_size_execute0_lowered;
	s2 =	sadd.s32 s2, s4;
	[dreg:$0x0] =	wrdreg $0x0  }
0xa8: {  	s4 =	sshll.u32 s28, $0x1;
	[dreg:$0x2] =	wrdreg s2  }
0xa9: {  	[dreg:$0x3] =	wrdreg s4  }
0xaa: {  	[dreg:$0x4] =	wrdreg $0xC0  }
0xab: {  	_ =	task [dreg:s6], $0x5FFFF  }
0xac: {  	[dreg:$0x1] =	wrdreg $0xFFFFFFFF  }
0xad: {  	[dreg:$0x0] =	wrdreg $0x60  }
0xae: {  	[dreg:$0x2] =	wrdreg s24  }
0xaf: {  	[dreg:$0x3] =	wrdreg $0x90000  }
0xb0: {  	[dreg:$0x4] =	wrdreg $0x9  }
0xb1: {  	_ =	task.clear_ibuf [dreg:s6], $0x5FFFF;
	_ =	strace $0x9000004F  }
0xb2: {  	s29 =	simm.s32 $0x9;
	_ =	strace $0x80000051  }
0xb3: {  	_ =	swait.ge [sflag:s29], $0x1  }
0xb4: {  	[sflag:s29] =	ssyncadd.s32 $0xFFFFFFFF  }
0xb5: {  	_ =	strace $0x90000051  }
0xb6: {  	_ =	sfence  }
0xb7: {  	s30 =	sld [smem:$0x0];
	_ =	sdelay $0x2  }
0xb8: {  	s31 =	sshll.u32 s1, $0xD;
	s1 =	sshrl.u32 s1, $0x2  }
0xb9: {  	s3 =	sand.u32 $0x4000, s31;
	s1 =	sadd.s32 s1, s30  }
0xba: {  	s0 =	sor.u32 s3, s0;
	s1 =	sshll.u32 s1, $0x11  }
0xbb: {  	s0 =	sor.u32 s1, s0  }
0xbc: {  	s0 =	sadd.s32 $0x8F2B, s0  }
0xbd: {  	[sflag:s0] =	ssyncadd.remote.s32 $0x1  }
0xbe: {  	_ =	sfence.sel $0xFFFF  }
0xbf: {  	[dreg:$0x0] =	wrdreg $0xFFFFFFFF;
	(pc) =	sbr.abs _section_cstart, $3  }
0xc0: {  	[dreg:$0x1] =	wrdreg $0xFFFFFFFF  }
0xc1: {  	_ =	task.clear_ibuf [dreg:s6], $0x2FFFF;
	_ =	strace $0x9FFFFFFF  }
0xc2: {  	(tm) =	ssettm $0x7FFFFFFF  }
0xc3: {  	_ =	shalt  }
tec
execute0_lowered:
.L_overlay_start_1:
0x0: {  	(tag) =	ssettag $0x1  }
0x1: {  	s6 =	rddreg [dreg:$0x0];
	s0 =	stileid.u32  }
0x2: {  	s1 =	srdreg.scid;
	s2 =	rddreg [dreg:$0x1]  }
0x3: {  	s3 =	simm.s32 $0x0;
	s16 =	simm.s32 $0x80;
	s17 =	simm.s32 $0x5000  }
0x4: {  	s18 =	simm.s32 $0x1;
	s19 =	simm.s32 $0x0;
	s4 =	smul.u32 $0x500, s0  }
0x5: {  	s7 =	sand.u32 $0x1, s1;
	s1 =	rddreg [dreg:$0x2];
	s9 =	smul.u32 $0x14000, s0  }
0x6: {  	[smem:$0x7FF] =	sst s3;
	s5 =	sadd.s32 $0x9800, s6;
	s11 =	smul.u32 $0x50000, s0  }
0x7: {  	s14 =	sshll.u32 s0, $0x6;
	s8 =	smul.u32 $0x140000, s7;
	_ =	strace $0x80000050  }
0x8: {  	s28 =	ssub.s32 $0x2, s7;
	s30 =	smul.u32 $0x5000, s7;
	s14 =	sor.u32 $0x1C02, s14  }
0x9: {  	s10 =	sadd.s32 s4, s6;
	s4 =	sadd.s32 $0x84000, s6;
	s29 =	sshrl.u32 s28, $0x1  }
0xa: {  	s31 =	sshrl.u32 s11, $0x2;
	s8 =	sadd.s32 s9, s8;
	s13 =	ssub.s32 s28, s29  }
0xb: {  	s7 =	sadd.s32 $0x4800, s10;
	s15 =	sadd.s32 s31, s2;
	s8 =	sshrl.u32 s8, $0x3  }
0xc: {  	s15 =	sshrl.u32 s15, $0x3;
	s12 =	sadd.s32 s8, s6;
	s6 =	sadd.s32 $0xAC000, s10  }
0xd: {  	s8 =	sshrl.u32 s30, $0x2;
	s10 =	smax.u32 s13, $0x1;
	s13 =	simm.s32 $0x2800  }
0xe: {  	s9 =	sadd.s32 $0xC000, s12;
	s11 =	sadd.s32 $0x2800, s8;
	s12 =	simm.s32 $0x2  }
.LBB2_1:
0xf: {  	[tilespmem:s3], [sflag:$0x2] =	stream.linear.gather [hbm4b:s6+s3], $0x2800, $0x38;
	[tilespmem:$0x1D000] =	vst v63  }
0x10: {  	_ =	swait.ge [sflag:s12], $0x2800  }
0x11: {  	[sflag:s12] =	ssyncset.done $0x0  }
0x12: {  	[sflag:s12] =	ssyncadd.s32 $0xFFFFD800  }
0x13: {  	[tilespmem:s13], [sflag:$0x2] =	stream.linear.gather [hbm4b:s7+s3], $0x2800, $0x38;
	[tilespmem:$0x1D000] =	vst v63  }
0x14: {  	_ =	swait.ge [sflag:s12], $0x2800  }
0x15: {  	[sflag:s12] =	ssyncset.done $0x0  }
0x16: {  	[sflag:s12] =	ssyncadd.s32 $0xFFFFD800  }
0x17: {  	[spmem:s15], [sflag:s14] =	dma.local [hbm:s5], $0x2800  }
0x18: {  	_ =	swait.ge [sflag:s12], $0x2800  }
0x19: {  	[sflag:s12] =	ssyncset.done $0x0  }
0x1a: {  	[sflag:s12] =	ssyncadd.s32 $0xFFFFD800  }
0x1b: {  	s20 =	sadd.s32 $0x0, s8;
	[bflag:$0x0] =	sbarrier.arrive $0xFFFF  }
0x1c: {  	[tilespmem:s17], [sflag:$0x1] =	stream.indirect.gather [hbm4b:s4+s16], $0x80, s20, s16, $0xb8;
	[tilespmem:$0x1D000] =	vst v63  }
0x1d: {  	_ =	swait.ge [sflag:s18], $0x4000  }
0x1e: {  	[sflag:s18] =	ssyncset.done $0x0  }
0x1f: {  	s31 =	sadd.s32 $0x0, s11;
	[sflag:s18] =	ssyncadd.s32 $0xFFFFC000  }
0x20: {  	[spmem:s2] =	stream.indirect.scatter.add.f32 [tilespmem:s17], [sflag:$0x2], $0x80, s31, s16, $0xb8;
	[tilespmem:$0x1D000] =	vst v63  }
0x21: {  	_ =	swait.ge [sflag:s12], $0x4000  }
0x22: {  	s21 =	simm.s32 $0x400;
	s20 =	simm.s32 $0x80;
	[sflag:s12] =	ssyncset.done $0x0  }
.LBB2_2:
0x23: {  	s22 =	sadd.s32 s20, s8  }
0x24: {  	[sflag:s12] =	ssyncadd.s32 $0xFFFFC000;
	s23 =	smov.u32 s21;
	s24 =	sadd.s32 $0x200, s21  }
0x25: {  	[tilespmem:s17], [sflag:$0x1] =	stream.indirect.gather [hbm4b:s4+s16], $0x80, s22, s16, $0xb8;
	[tilespmem:$0x1D000] =	vst v63  }
0x26: {  	p0 =	sne.s32 s21, $0x4E00;
	_ =	swait.ge [sflag:s18], $0x4000  }
.Ltmp0:
0x27: {  	[sflag:s18] =	ssyncset.done $0x0;
	(pc) =	sbr.rel @p0 .LBB2_2-.Ltmp0, $4  }
0x28: {  	s20 =	sadd.s32 s20, s11;
	[sflag:s18] =	ssyncadd.s32 $0xFFFFC000  }
0x29: {  	[spmem:s2] =	stream.indirect.scatter.add.f32 [tilespmem:s17], [sflag:$0x2], $0x80, s20, s16, $0xb8;
	[tilespmem:$0x1D000] =	vst v63  }
0x2a: {  	_ =	swait.ge [sflag:s12], $0x4000  }
0x2b: {  	s21 =	smov.u32 s24;
	s20 =	sshra.s32 s23, $0x2;
	[sflag:s12] =	ssyncset.done $0x0  }
0x2c: {  	s21 =	sadd.s32 s20, s8;
	[sflag:s12] =	ssyncadd.s32 $0xFFFFC000  }
0x2d: {  	[tilespmem:s17], [sflag:$0x1] =	stream.indirect.gather [hbm4b:s4+s16], $0x80, s21, s16, $0xb8;
	[tilespmem:$0x1D000] =	vst v63  }
0x2e: {  	_ =	swait.ge [sflag:s18], $0x4000  }
0x2f: {  	[sflag:s18] =	ssyncset.done $0x0  }
0x30: {  	s31 =	sadd.s32 s20, s11;
	[sflag:s18] =	ssyncadd.s32 $0xFFFFC000  }
0x31: {  	[spmem:s2] =	stream.indirect.scatter.add.f32 [tilespmem:s17], [sflag:$0x2], $0x80, s31, s16, $0xb8;
	[tilespmem:$0x1D000] =	vst v63  }
0x32: {  	_ =	swait.ge [sflag:s12], $0x4000  }
0x33: {  	s19 =	sadd.s32 $0x1, s19;
	[sflag:s12] =	ssyncset.done $0x0  }
0x34: {  	p0 =	sne.s32 s19, s10;
	[sflag:s12] =	ssyncadd.s32 $0xFFFFC000  }
.Ltmp1:
0x35: {  	[bflag:$0x0] =	sbarrier.arrive $0xFFFF;
	(pc) =	sbr.rel @p0 .LBB2_1-.Ltmp1, $4  }
0x36: {  	[hbm:s9], [sflag:s14] =	dma.local [spmem:s15], $0x2800  }
0x37: {  	_ =	swait.ge [sflag:s12], $0x2800  }
0x38: {  	[sflag:s12] =	ssyncset.done $0x0  }
0x39: {  	[sflag:s12] =	ssyncadd.s32 $0xFFFFD800  }
0x3a: {  	_ =	sfence.sel $0x180000  }
0x3b: {  	[bflag:$0x0] =	sbarrier.arrive $0xFFFF  }
0x3c: {  	p0 =	sne.s32 s0, $0x0;
	_ =	strace $0x90000050  }
0x3d: {  	s0 =	sadd.s32 @!p0 $0x100000, s1;
	[bflag:$0x2] =	sbarrier.arrive $0xFFFF  }
0x3e: {  	[sflag:s0] =	ssyncadd.tile.s32 @!p0 $0x1;
	_ =	shalt  }
.Lfunc_end2:
_tile_overlayer_lowered:
.L_overlay_start_2:
0x3f: {  	(tag) =	ssettag $0x2  }
0x40: {  	s0 =	rddreg [dreg:$0x0];
	s2 =	stileid.u32  }
0x41: {  	s1 =	rddreg [dreg:$0x1];
	p0 =	sne.s32 s2, $0x0  }
0x42: {  	s3 =	rddreg [dreg:$0x2];
	[bflag:$0x3] =	sbarrier.arrive $0xFFFF;
	s2 =	simm.s32 @!p0 $0x1C02  }
0x43: {  	[timem:s3], [sflag:s2] =	dma.local @!p0 [hbm:s0], s1  }
0x44: {  	s0 =	simm.s32 @!p0 $0x2  }
0x45: {  	_ =	swait.ge @!p0 [sflag:s0], s1  }
0x46: {  	s1 =	ssub.s32 @!p0 $0x0, s1;
	[sflag:s0] =	ssyncset.done @!p0 $0x0  }
0x47: {  	[sflag:s0] =	ssyncadd.s32 @!p0 s1  }
0x48: {  	[bflag:$0x3] =	sbarrier.arrive $0xFFFF  }
0x49: {  	_ =	shalt  }

</sc_bundles>
